<compile_context>
chip_gen: v7x
topology: tpu7x:2x2x1
jax: 0.10.2.dev20260603
libtpu: 0.0.44.dev20260713+nightly
codegen_flags: <defaults>
</compile_context>

<pallas_src>
import functools

import jax
import jax.numpy as jnp
from jax import lax
from jax.experimental import pallas as pl
from jax.experimental.pallas import tpu as pltpu
from jax.experimental.pallas import tpu_sc as plsc

N = 10000
NP = 10240
E = 160000
NC = 2
NS = 16
NW = NC * NS
EPT = E // NW
K = 40
NCHUNK = EPT // K
RB = 5
NROUND = NCHUNK // RB
NB = 4
RPT = NP // NS

_MESH = plsc.VectorSubcoreMesh(core_axis_name="c", subcore_axis_name="s")



def _make_deg_kernel():
  DDEEP = 4

  @functools.partial(
      pl.kernel,
      out_type=jax.ShapeDtypeStruct((NC, NP), jnp.float32),
      mesh=_MESH,
      compiler_params=pltpu.CompilerParams(use_tc_tiling_on_sc=False),
      scratch_types=[
          pltpu.VMEM((NCHUNK, K), jnp.int32),
          pltpu.VMEM((K,), jnp.float32),
          pltpu.VMEM_SHARED((NP,), jnp.float32),
          pltpu.SemaphoreType.DMA,
      ],
  )
  def deg_kernel(col_hbm, ones_hbm, zeros_hbm, out_hbm, col_v, ones_v, dacc,
                 sem):
    c = lax.axis_index("c")
    s = lax.axis_index("s")
    t = s * NC + c
    base = s * RPT
    pltpu.sync_copy(zeros_hbm.at[pl.ds(base, RPT)], dacc.at[pl.ds(base, RPT)])
    pltpu.sync_copy(col_hbm.at[t], col_v)
    pltpu.sync_copy(ones_hbm, ones_v)
    plsc.subcore_barrier()

    for j in range(DDEEP):
      pltpu.async_copy(ones_v, dacc.at[col_v.at[j]], sem, add=True)

    def body(j, carry):
      @pl.when(j + DDEEP < NCHUNK)
      def _():
        pltpu.async_copy(ones_v, dacc.at[col_v.at[j + DDEEP]], sem, add=True)

      pltpu.make_async_copy(ones_v, dacc.at[col_v.at[j]], sem).wait()
      return carry

    lax.fori_loop(0, NCHUNK, body, 0)
    plsc.subcore_barrier()
    pltpu.sync_copy(dacc.at[pl.ds(base, RPT)],
                    out_hbm.at[c].at[pl.ds(base, RPT)])

  return deg_kernel


def _make_agg_kernel(D, GD, SD):
  NBUF = GD + SD

  @functools.partial(
      pl.kernel,
      out_type=jax.ShapeDtypeStruct((NC, NP, D), jnp.float32),
      mesh=_MESH,
      compiler_params=pltpu.CompilerParams(use_tc_tiling_on_sc=False),
      scratch_types=[
          pltpu.VMEM((NCHUNK, K), jnp.int32),
          pltpu.VMEM((NCHUNK, K), jnp.int32),
          pltpu.VMEM((NBUF * K, D), jnp.float32),
          pltpu.VMEM_SHARED((NP, D), jnp.float32),
          pltpu.SemaphoreType.DMA,
          pltpu.SemaphoreType.DMA,
      ],
  )
  def agg_kernel(row_hbm, col_hbm, src_hbm, zeros_hbm, out_hbm,
                 row_v, col_v, buf, acc, gsem, ssem):
    c = lax.axis_index("c")
    s = lax.axis_index("s")
    t = s * NC + c
    base = s * RPT

    @pl.when(c == 0)
    def _():
      pltpu.sync_copy(src_hbm.at[pl.ds(base, RPT)], acc.at[pl.ds(base, RPT)])

    @pl.when(c != 0)
    def _():
      pltpu.sync_copy(zeros_hbm.at[pl.ds(base, RPT)], acc.at[pl.ds(base, RPT)])

    pltpu.sync_copy(row_hbm.at[t], row_v)
    pltpu.sync_copy(col_hbm.at[t], col_v)
    plsc.subcore_barrier()

    def slot(j):
      return (j % NBUF) * K

    def gissue(j):
      pltpu.async_copy(src_hbm.at[row_v.at[j]],
                       buf.at[pl.ds(slot(j), K)], gsem)

    def gwait(j):
      pltpu.make_async_copy(src_hbm.at[row_v.at[j]],
                            buf.at[pl.ds(slot(j), K)], gsem).wait()

    def sissue(j):
      pltpu.async_copy(buf.at[pl.ds(slot(j), K)],
                       acc.at[col_v.at[j]], ssem, add=True)

    def swait(j):
      pltpu.make_async_copy(buf.at[pl.ds(slot(j), K)],
                            acc.at[col_v.at[j]], ssem).wait()

    for j in range(GD):
      gissue(j)

    def body(j, carry):
      gwait(j)
      sissue(j)

      @pl.when(j + GD < NCHUNK)
      def _():
        @pl.when(j >= SD)
        def _():
          swait(j - SD)

        gissue(j + GD)

      return carry

    lax.fori_loop(0, NCHUNK, body, 0)
    for j in range(max(0, NCHUNK - NBUF), NCHUNK):
      swait(j)
    plsc.subcore_barrier()
    pltpu.sync_copy(acc.at[pl.ds(base, RPT)],
                    out_hbm.at[c].at[pl.ds(base, RPT)])

  return agg_kernel


_deg_kernel = _make_deg_kernel()
_agg128 = _make_agg_kernel(128, 4, 3)
_agg40 = _make_agg_kernel(40, 5, 5)



_RBLK = 640
_NBLK = NP // _RBLK


def _prescale_body(deg_ref, x_ref, xs_ref, dinv_ref):
  deg = deg_ref[:, 0:1] + deg_ref[:, 1:2] + 1.0
  dinv = lax.rsqrt(deg)
  dinv_ref[...] = dinv
  xs_ref[...] = x_ref[...] * dinv


def _tc_prescale(deg_t, x_pad):
  return pl.pallas_call(
      _prescale_body,
      grid=(_NBLK,),
      in_specs=[
          pl.BlockSpec((_RBLK, NC), lambda i: (i, 0)),
          pl.BlockSpec((_RBLK, 128), lambda i: (i, 0)),
      ],
      out_specs=[
          pl.BlockSpec((_RBLK, 128), lambda i: (i, 0)),
          pl.BlockSpec((_RBLK, 1), lambda i: (i, 0)),
      ],
      out_shape=[
          jax.ShapeDtypeStruct((NP, 128), jnp.float32),
          jax.ShapeDtypeStruct((NP, 1), jnp.float32),
      ],
  )(deg_t, x_pad)


def _mm_body(p_ref, dinv_ref, w1_ref, b1_ref, w2_ref, ys_ref):
  dinv = dinv_ref[...]
  a = (p_ref[0] + p_ref[1]) * dinv
  h = jnp.dot(a.astype(jnp.bfloat16), w1_ref[...].astype(jnp.bfloat16),
              preferred_element_type=jnp.float32)
  h = jnp.maximum(h + b1_ref[...], 0.0)
  y = jnp.dot(h.astype(jnp.bfloat16), w2_ref[...].astype(jnp.bfloat16),
              preferred_element_type=jnp.float32)
  ys_ref[...] = y * dinv


_MBLK = 1280


def _tc_mm(p, dinv, w1, b1, w2):
  return pl.pallas_call(
      _mm_body,
      grid=(NP // _MBLK,),
      in_specs=[
          pl.BlockSpec((NC, _MBLK, 128), lambda i: (0, i, 0)),
          pl.BlockSpec((_MBLK, 1), lambda i: (i, 0)),
          pl.BlockSpec((128, 2048), lambda i: (0, 0)),
          pl.BlockSpec((1, 2048), lambda i: (0, 0)),
          pl.BlockSpec((2048, 40), lambda i: (0, 0)),
      ],
      out_specs=pl.BlockSpec((_MBLK, 40), lambda i: (i, 0)),
      out_shape=jax.ShapeDtypeStruct((NP, 40), jnp.float32),
  )(p, dinv, w1, b1, w2)


def _final_body(q_ref, dinv_ref, b2_ref, out_ref):
  out_ref[...] = (q_ref[0] + q_ref[1]) * dinv_ref[...] + b2_ref[...]


def _tc_final(q, dinv, b2p):
  return pl.pallas_call(
      _final_body,
      grid=(_NBLK,),
      in_specs=[
          pl.BlockSpec((NC, _RBLK, 40), lambda i: (0, i, 0)),
          pl.BlockSpec((_RBLK, 1), lambda i: (i, 0)),
          pl.BlockSpec((1, 40), lambda i: (0, 0)),
      ],
      out_specs=pl.BlockSpec((_RBLK, 40), lambda i: (i, 0)),
      out_shape=jax.ShapeDtypeStruct((NP, 40), jnp.float32),
  )(q, dinv, b2p)



def kernel(x, edge_index, W1, b1, W2, b2):
  ei = edge_index.astype(jnp.int32)
  row2 = ei[0].reshape(NW, NCHUNK, K)
  col2 = ei[1].reshape(NW, NCHUNK, K)
  x_pad = jnp.pad(x, ((0, NP - N), (0, 0)))
  b1r = b1.reshape(1, 2048)
  b2r = b2.reshape(1, 40)
  ones_k = jnp.ones((K,), jnp.float32)
  z1 = jnp.zeros((NP,), jnp.float32)
  z128 = jnp.zeros((NP, 128), jnp.float32)
  z40 = jnp.zeros((NP, 40), jnp.float32)

  degp = _deg_kernel(col2, ones_k, z1)
  deg_t = degp.T
  xs, dinv = _tc_prescale(deg_t, x_pad)
  p = _agg128(row2, col2, xs, z128)
  ys = _tc_mm(p, dinv, W1, b1r, W2)
  q = _agg40(row2, col2, ys, z40)
  outp = _tc_final(q, dinv, b2r)
  return outp[:N]

# --- scband reference (transcript-rebuilt; emitter-appended) ---
"""Pipeline reference for scband-gcnnode-classifier-50766513439532 (READ-ONLY COPY).

The authoritative reference and input builder live on the scoring server;
editing this copy changes nothing except your own understanding.
"""

import jax, jax.numpy as jnp
import numpy as np

N_NODES = 10000


def gcn_conv(x, edge_index, W, b, num_nodes):
    # PyG GCNConv semantics: linear transform, add self loops,
    # symmetric normalization D^-1/2 (A+I) D^-1/2, sum aggregation, bias.
    x = x @ W
    loops = jnp.arange(num_nodes, dtype=edge_index.dtype)
    row = jnp.concatenate([edge_index[0], loops])  # source
    col = jnp.concatenate([edge_index[1], loops])  # destination
    ones = jnp.ones(row.shape[0], dtype=x.dtype)
    deg = jnp.zeros((num_nodes,), dtype=x.dtype).at[col].add(ones)
    deg_inv_sqrt = jnp.where(deg > 0, deg ** -0.5, 0.0)
    norm = deg_inv_sqrt[row] * deg_inv_sqrt[col]
    msg = jnp.take(x, row, axis=0) * norm[:, None]
    out = jnp.zeros((num_nodes, x.shape[1]), dtype=x.dtype).at[col].add(msg)
    return out + b


def setup_inputs(seed: int = 0) -> dict:
    key = jax.random.key(seed)
    k1, k2, k3, k4 = jax.random.split(key, 4)
    dim_features, dim_hidden, num_classes = 128, 2048, 40
    x = jax.random.normal(k1, (N_NODES, dim_features), dtype=jnp.float32)
    edge_index = jax.random.randint(k2, (2, 160000), 0, N_NODES, dtype=jnp.int64)
    W1 = jax.random.normal(k3, (dim_features, dim_hidden), dtype=jnp.float32) * 0.05
    b1 = jnp.zeros((dim_hidden,), dtype=jnp.float32)
    W2 = jax.random.normal(k4, (dim_hidden, num_classes), dtype=jnp.float32) * 0.05
    b2 = jnp.zeros((num_classes,), dtype=jnp.float32)
    return {"x": x, "edge_index": edge_index, "W1": W1, "b1": b1, "W2": W2, "b2": b2}


def reference(x, edge_index, W1, b1, W2, b2):
    # num_layers=2 -> gconvs=[GCNConv(128,2048)], final_conv=GCNConv(2048,40)
    # drop_edge=1.0 keeps all edges (shuffle is a no-op for sum aggregation)
    N = x.shape[0]
    h = gcn_conv(x, edge_index, W1, b1, N)
    h = jax.nn.relu(h)
    out = gcn_conv(h, edge_index, W2, b2, N)
    return out

if __name__ == "__main__":
    import jax
    _d = setup_inputs()
    print(jax.jit(kernel)(*tuple(_d.values())))

</pallas_src>

<mosaic_0001>
#map = affine_map<(d0, d1) -> (0, 0, 0)>
#map1 = affine_map<(d0, d1) -> (0)>
#map2 = affine_map<(d0, d1) -> (0, 0)>
module attributes {stable_mosaic.version = 14 : i64} {
  func.func @deg_kernel(%arg0: i32, %arg1: i32, %arg2: memref<32x125x40xi32, #tpu.memory_space<hbm>>, %arg3: memref<40xf32, #tpu.memory_space<hbm>>, %arg4: memref<10240xf32, #tpu.memory_space<hbm>>, %arg5: memref<2x10240xf32, #tpu.memory_space<hbm>>, %arg6: memref<125x40xi32, #tpu.memory_space<vmem>>, %arg7: memref<40xf32, #tpu.memory_space<vmem>>, %arg8: memref<10240xf32, #tpu.memory_space<vmem_shared>>, %arg9: memref<!tpu.dma_semaphore, #tpu.memory_space<semaphore_mem>>) attributes {dimension_semantics = [#tpu.dimension_semantics<core_parallel>, #tpu.dimension_semantics<subcore_parallel>], iteration_bounds = array<i64: 2, 16>, scalar_prefetch = 0 : i64, scratch_operands = 4 : i64, tpu.core_type = #tpu.core_type<sc_vector_subcore>, window_params = [{transform_indices = #map}, {transform_indices = #map1}, {transform_indices = #map1}, {transform_indices = #map2}]} {
    %mul3A = arith.constant 2 : i32
    %mul3A_0 = arith.muli %arg1, %mul3A : i32
    %add3A = arith.addi %mul3A_0, %arg0 : i32
    %mul3A_1 = arith.constant 640 : i32
    %mul3A_2 = arith.muli %arg1, %mul3A_1 : i32
    "tpu.region"() ({
      %run_scoped3A = tpu.sem_alloc : memref<!tpu.dma_semaphore, #tpu.memory_space<semaphore_mem>>
      %dma_start3A_32 = tpu.memref_slice %arg8[%mul3A_2] : memref<10240xf32, #tpu.memory_space<vmem_shared>> -> memref<640xf32, #tpu.memory_space<vmem_shared>>
      %dma_start3A_33 = tpu.memref_slice %arg4[%mul3A_2] : memref<10240xf32, #tpu.memory_space<hbm>> -> memref<640xf32, #tpu.memory_space<hbm>>
      tpu.enqueue_dma source(%dma_start3A_33 : memref<640xf32, #tpu.memory_space<hbm>>) target(%dma_start3A_32 : memref<640xf32, #tpu.memory_space<vmem_shared>>) target_semaphore(%run_scoped3A : memref<!tpu.dma_semaphore, #tpu.memory_space<semaphore_mem>>)
      %dma_wait3A = tpu.memref_slice %arg8[%mul3A_2] : memref<10240xf32, #tpu.memory_space<vmem_shared>> -> memref<640xf32, #tpu.memory_space<vmem_shared>>
      %dma_wait3A_34 = tpu.memref_slice %arg4[%mul3A_2] : memref<10240xf32, #tpu.memory_space<hbm>> -> memref<640xf32, #tpu.memory_space<hbm>>
      tpu.wait_dma2 semaphore(%run_scoped3A : memref<!tpu.dma_semaphore, #tpu.memory_space<semaphore_mem>>) src(%dma_wait3A_34 : memref<640xf32, #tpu.memory_space<hbm>>) dst(%dma_wait3A : memref<640xf32, #tpu.memory_space<vmem_shared>>)
      tpu.yield
    }) : () -> ()
    "tpu.region"() ({
      %run_scoped3A = tpu.sem_alloc : memref<!tpu.dma_semaphore, #tpu.memory_space<semaphore_mem>>
      %dma_start3A_32 = arith.constant 0 : i32
      %dma_start3A_33 = arith.constant 0 : i32
      %dma_start3A_34 = tpu.memref_slice %arg2[%add3A, %dma_start3A_32, %dma_start3A_33] : memref<32x125x40xi32, #tpu.memory_space<hbm>> -> memref<1x125x40xi32, #tpu.memory_space<hbm>>
      %dma_start3A_35 = tpu.memref_squeeze %dma_start3A_34 : memref<1x125x40xi32, #tpu.memory_space<hbm>> -> memref<125x40xi32, #tpu.memory_space<hbm>>
      %dma_start3A_36 = arith.constant 0 : i32
      %dma_start3A_37 = arith.constant 0 : i32
      %dma_start3A_38 = tpu.memref_slice %arg2[%add3A, %dma_start3A_36, %dma_start3A_37] : memref<32x125x40xi32, #tpu.memory_space<hbm>> -> memref<1x125x40xi32, #tpu.memory_space<hbm>>
      %dma_start3A_39 = tpu.memref_squeeze %dma_start3A_38 : memref<1x125x40xi32, #tpu.memory_space<hbm>> -> memref<125x40xi32, #tpu.memory_space<hbm>>
      tpu.enqueue_dma source(%dma_start3A_39 : memref<125x40xi32, #tpu.memory_space<hbm>>) target(%arg6 : memref<125x40xi32, #tpu.memory_space<vmem>>) target_semaphore(%run_scoped3A : memref<!tpu.dma_semaphore, #tpu.memory_space<semaphore_mem>>)
      %dma_wait3A = arith.constant 0 : i32
      %dma_wait3A_40 = arith.constant 0 : i32
      %dma_wait3A_41 = tpu.memref_slice %arg2[%add3A, %dma_wait3A, %dma_wait3A_40] : memref<32x125x40xi32, #tpu.memory_space<hbm>> -> memref<1x125x40xi32, #tpu.memory_space<hbm>>
      %dma_wait3A_42 = tpu.memref_squeeze %dma_wait3A_41 : memref<1x125x40xi32, #tpu.memory_space<hbm>> -> memref<125x40xi32, #tpu.memory_space<hbm>>
      %dma_wait3A_43 = arith.constant 0 : i32
      %dma_wait3A_44 = arith.constant 0 : i32
      %dma_wait3A_45 = tpu.memref_slice %arg2[%add3A, %dma_wait3A_43, %dma_wait3A_44] : memref<32x125x40xi32, #tpu.memory_space<hbm>> -> memref<1x125x40xi32, #tpu.memory_space<hbm>>
      %dma_wait3A_46 = tpu.memref_squeeze %dma_wait3A_45 : memref<1x125x40xi32, #tpu.memory_space<hbm>> -> memref<125x40xi32, #tpu.memory_space<hbm>>
      tpu.wait_dma2 semaphore(%run_scoped3A : memref<!tpu.dma_semaphore, #tpu.memory_space<semaphore_mem>>) src(%dma_wait3A_46 : memref<125x40xi32, #tpu.memory_space<hbm>>) dst(%arg6 : memref<125x40xi32, #tpu.memory_space<vmem>>)
      tpu.yield
    }) : () -> ()
    "tpu.region"() ({
      %run_scoped3A = tpu.sem_alloc : memref<!tpu.dma_semaphore, #tpu.memory_space<semaphore_mem>>
      tpu.enqueue_dma source(%arg3 : memref<40xf32, #tpu.memory_space<hbm>>) target(%arg7 : memref<40xf32, #tpu.memory_space<vmem>>) target_semaphore(%run_scoped3A : memref<!tpu.dma_semaphore, #tpu.memory_space<semaphore_mem>>)
      tpu.wait_dma2 semaphore(%run_scoped3A : memref<!tpu.dma_semaphore, #tpu.memory_space<semaphore_mem>>) src(%arg3 : memref<40xf32, #tpu.memory_space<hbm>>) dst(%arg7 : memref<40xf32, #tpu.memory_space<vmem>>)
      tpu.yield
    }) : () -> ()
    %barrier3A = arith.constant 0 : index
    tpu.barrier barrier_id(%barrier3A)
    %dma_start3A = arith.constant 0 : i32
    %dma_start3A_3 = arith.constant 0 : i32
    %dma_start3A_4 = tpu.memref_slice %arg6[%dma_start3A, %dma_start3A_3] : memref<125x40xi32, #tpu.memory_space<vmem>> -> memref<1x40xi32, #tpu.memory_space<vmem>>
    %dma_start3A_5 = tpu.memref_squeeze %dma_start3A_4 : memref<1x40xi32, #tpu.memory_space<vmem>> -> memref<40xi32, #tpu.memory_space<vmem>>
    %dma_start3A_6 = arith.constant 0 : i32
    %dma_start3A_7 = tpu.memref_slice %arg8[%dma_start3A_6] : memref<10240xf32, #tpu.memory_space<vmem_shared>> -> memref<10240xf32, #tpu.memory_space<vmem_shared>>
    tpu.enqueue_indirect_dma source(%arg7 : memref<40xf32, #tpu.memory_space<vmem>>) target(%dma_start3A_7 : memref<10240xf32, #tpu.memory_space<vmem_shared>>) offsets(%dma_start3A_5 : memref<40xi32, #tpu.memory_space<vmem>>) semaphore(%arg9 : memref<!tpu.dma_semaphore, #tpu.memory_space<semaphore_mem>>) {add = true}
    %dma_start3A_8 = arith.constant 1 : i32
    %dma_start3A_9 = arith.constant 0 : i32
    %dma_start3A_10 = tpu.memref_slice %arg6[%dma_start3A_8, %dma_start3A_9] : memref<125x40xi32, #tpu.memory_space<vmem>> -> memref<1x40xi32, #tpu.memory_space<vmem>>
    %dma_start3A_11 = tpu.memref_squeeze %dma_start3A_10 : memref<1x40xi32, #tpu.memory_space<vmem>> -> memref<40xi32, #tpu.memory_space<vmem>>
    %dma_start3A_12 = arith.constant 0 : i32
    %dma_start3A_13 = tpu.memref_slice %arg8[%dma_start3A_12] : memref<10240xf32, #tpu.memory_space<vmem_shared>> -> memref<10240xf32, #tpu.memory_space<vmem_shared>>
    tpu.enqueue_indirect_dma source(%arg7 : memref<40xf32, #tpu.memory_space<vmem>>) target(%dma_start3A_13 : memref<10240xf32, #tpu.memory_space<vmem_shared>>) offsets(%dma_start3A_11 : memref<40xi32, #tpu.memory_space<vmem>>) semaphore(%arg9 : memref<!tpu.dma_semaphore, #tpu.memory_space<semaphore_mem>>) {add = true}
    %dma_start3A_14 = arith.constant 2 : i32
    %dma_start3A_15 = arith.constant 0 : i32
    %dma_start3A_16 = tpu.memref_slice %arg6[%dma_start3A_14, %dma_start3A_15] : memref<125x40xi32, #tpu.memory_space<vmem>> -> memref<1x40xi32, #tpu.memory_space<vmem>>
    %dma_start3A_17 = tpu.memref_squeeze %dma_start3A_16 : memref<1x40xi32, #tpu.memory_space<vmem>> -> memref<40xi32, #tpu.memory_space<vmem>>
    %dma_start3A_18 = arith.constant 0 : i32
    %dma_start3A_19 = tpu.memref_slice %arg8[%dma_start3A_18] : memref<10240xf32, #tpu.memory_space<vmem_shared>> -> memref<10240xf32, #tpu.memory_space<vmem_shared>>
    tpu.enqueue_indirect_dma source(%arg7 : memref<40xf32, #tpu.memory_space<vmem>>) target(%dma_start3A_19 : memref<10240xf32, #tpu.memory_space<vmem_shared>>) offsets(%dma_start3A_17 : memref<40xi32, #tpu.memory_space<vmem>>) semaphore(%arg9 : memref<!tpu.dma_semaphore, #tpu.memory_space<semaphore_mem>>) {add = true}
    %dma_start3A_20 = arith.constant 3 : i32
    %dma_start3A_21 = arith.constant 0 : i32
    %dma_start3A_22 = tpu.memref_slice %arg6[%dma_start3A_20, %dma_start3A_21] : memref<125x40xi32, #tpu.memory_space<vmem>> -> memref<1x40xi32, #tpu.memory_space<vmem>>
    %dma_start3A_23 = tpu.memref_squeeze %dma_start3A_22 : memref<1x40xi32, #tpu.memory_space<vmem>> -> memref<40xi32, #tpu.memory_space<vmem>>
    %dma_start3A_24 = arith.constant 0 : i32
    %dma_start3A_25 = tpu.memref_slice %arg8[%dma_start3A_24] : memref<10240xf32, #tpu.memory_space<vmem_shared>> -> memref<10240xf32, #tpu.memory_space<vmem_shared>>
    tpu.enqueue_indirect_dma source(%arg7 : memref<40xf32, #tpu.memory_space<vmem>>) target(%dma_start3A_25 : memref<10240xf32, #tpu.memory_space<vmem_shared>>) offsets(%dma_start3A_23 : memref<40xi32, #tpu.memory_space<vmem>>) semaphore(%arg9 : memref<!tpu.dma_semaphore, #tpu.memory_space<semaphore_mem>>) {add = true}
    %scan3A = arith.constant 0 : i32
    %scan3A_26 = arith.constant 0 : i32
    %scan3A_27 = arith.constant 125 : i32
    %scan3A_28 = arith.addi %scan3A_26, %scan3A_27 : i32
    %scan3A_29 = arith.constant 1 : i32
    scf.for %scan3A_32 = %scan3A_26 to %scan3A_28 step %scan3A_29  : i32 {
      %add3A_33 = arith.constant 4 : i32
      %add3A_34 = arith.addi %scan3A_32, %add3A_33 : i32
      %lt3A = arith.constant 125 : i32
      %lt3A_35 = arith.cmpi slt, %add3A_34, %lt3A : i32
      %convert_element_type3A = arith.extui %lt3A_35 : i1 to i32
      %cond3A = arith.constant 0 : i32
      %cond3A_36 = arith.cmpi ne, %convert_element_type3A, %cond3A : i32
      scf.if %cond3A_36 {
        %add3A_41 = arith.constant 4 : i32
        %add3A_42 = arith.addi %scan3A_32, %add3A_41 : i32
        %dma_start3A_43 = arith.constant 0 : i32
        %dma_start3A_44 = tpu.memref_slice %arg6[%add3A_42, %dma_start3A_43] : memref<125x40xi32, #tpu.memory_space<vmem>> -> memref<1x40xi32, #tpu.memory_space<vmem>>
        %dma_start3A_45 = tpu.memref_squeeze %dma_start3A_44 : memref<1x40xi32, #tpu.memory_space<vmem>> -> memref<40xi32, #tpu.memory_space<vmem>>
        %dma_start3A_46 = arith.constant 0 : i32
        %dma_start3A_47 = tpu.memref_slice %arg8[%dma_start3A_46] : memref<10240xf32, #tpu.memory_space<vmem_shared>> -> memref<10240xf32, #tpu.memory_space<vmem_shared>>
        tpu.enqueue_indirect_dma source(%arg7 : memref<40xf32, #tpu.memory_space<vmem>>) target(%dma_start3A_47 : memref<10240xf32, #tpu.memory_space<vmem_shared>>) offsets(%dma_start3A_45 : memref<40xi32, #tpu.memory_space<vmem>>) semaphore(%arg9 : memref<!tpu.dma_semaphore, #tpu.memory_space<semaphore_mem>>) {add = true}
      } else {
      }
      %dma_wait3A = arith.constant 0 : i32
      %dma_wait3A_37 = tpu.memref_slice %arg6[%scan3A_32, %dma_wait3A] : memref<125x40xi32, #tpu.memory_space<vmem>> -> memref<1x40xi32, #tpu.memory_space<vmem>>
      %dma_wait3A_38 = tpu.memref_squeeze %dma_wait3A_37 : memref<1x40xi32, #tpu.memory_space<vmem>> -> memref<40xi32, #tpu.memory_space<vmem>>
      %dma_wait3A_39 = arith.constant 0 : i32
      %dma_wait3A_40 = tpu.memref_slice %arg8[%dma_wait3A_39] : memref<10240xf32, #tpu.memory_space<vmem_shared>> -> memref<10240xf32, #tpu.memory_space<vmem_shared>>
      tpu.wait_indirect_dma semaphore(%arg9 : memref<!tpu.dma_semaphore, #tpu.memory_space<semaphore_mem>>) src(%arg7 : memref<40xf32, #tpu.memory_space<vmem>>) dst(%dma_wait3A_40 : memref<10240xf32, #tpu.memory_space<vmem_shared>>)
    }
    %scan3A_30 = arith.constant 125 : i32
    %barrier3A_31 = arith.constant 0 : index
    tpu.barrier barrier_id(%barrier3A_31)
    "tpu.region"() ({
      %run_scoped3A = tpu.sem_alloc : memref<!tpu.dma_semaphore, #tpu.memory_space<semaphore_mem>>
      %dma_start3A_32 = arith.constant 0 : i32
      %dma_start3A_33 = tpu.memref_slice %arg5[%arg0, %dma_start3A_32] : memref<2x10240xf32, #tpu.memory_space<hbm>> -> memref<1x10240xf32, #tpu.memory_space<hbm>>
      %dma_start3A_34 = tpu.memref_squeeze %dma_start3A_33 : memref<1x10240xf32, #tpu.memory_space<hbm>> -> memref<10240xf32, #tpu.memory_space<hbm>>
      %dma_start3A_35 = tpu.memref_slice %dma_start3A_34[%mul3A_2] : memref<10240xf32, #tpu.memory_space<hbm>> -> memref<640xf32, #tpu.memory_space<hbm>>
      %dma_start3A_36 = tpu.memref_slice %arg8[%mul3A_2] : memref<10240xf32, #tpu.memory_space<vmem_shared>> -> memref<640xf32, #tpu.memory_space<vmem_shared>>
      tpu.enqueue_dma source(%dma_start3A_36 : memref<640xf32, #tpu.memory_space<vmem_shared>>) target(%dma_start3A_35 : memref<640xf32, #tpu.memory_space<hbm>>) target_semaphore(%run_scoped3A : memref<!tpu.dma_semaphore, #tpu.memory_space<semaphore_mem>>)
      %dma_wait3A = arith.constant 0 : i32
      %dma_wait3A_37 = tpu.memref_slice %arg5[%arg0, %dma_wait3A] : memref<2x10240xf32, #tpu.memory_space<hbm>> -> memref<1x10240xf32, #tpu.memory_space<hbm>>
      %dma_wait3A_38 = tpu.memref_squeeze %dma_wait3A_37 : memref<1x10240xf32, #tpu.memory_space<hbm>> -> memref<10240xf32, #tpu.memory_space<hbm>>
      %dma_wait3A_39 = tpu.memref_slice %dma_wait3A_38[%mul3A_2] : memref<10240xf32, #tpu.memory_space<hbm>> -> memref<640xf32, #tpu.memory_space<hbm>>
      %dma_wait3A_40 = tpu.memref_slice %arg8[%mul3A_2] : memref<10240xf32, #tpu.memory_space<vmem_shared>> -> memref<640xf32, #tpu.memory_space<vmem_shared>>
      tpu.wait_dma2 semaphore(%run_scoped3A : memref<!tpu.dma_semaphore, #tpu.memory_space<semaphore_mem>>) src(%dma_wait3A_40 : memref<640xf32, #tpu.memory_space<vmem_shared>>) dst(%dma_wait3A_39 : memref<640xf32, #tpu.memory_space<hbm>>)
      tpu.yield
    }) : () -> ()
    return
  }
}

#map = affine_map<(d0, d1) -> (0, 0, 0)>
#map1 = affine_map<(d0, d1) -> (0, 0)>
module attributes {stable_mosaic.version = 14 : i64} {
  func.func @agg_kernel(%arg0: i32, %arg1: i32, %arg2: memref<32x125x40xi32, #tpu.memory_space<hbm>>, %arg3: memref<32x125x40xi32, #tpu.memory_space<hbm>>, %arg4: memref<10240x40xf32, #tpu.memory_space<hbm>>, %arg5: memref<10240x40xf32, #tpu.memory_space<hbm>>, %arg6: memref<2x10240x40xf32, #tpu.memory_space<hbm>>, %arg7: memref<125x40xi32, #tpu.memory_space<vmem>>, %arg8: memref<125x40xi32, #tpu.memory_space<vmem>>, %arg9: memref<400x40xf32, #tpu.memory_space<vmem>>, %arg10: memref<10240x40xf32, #tpu.memory_space<vmem_shared>>, %arg11: memref<!tpu.dma_semaphore, #tpu.memory_space<semaphore_mem>>, %arg12: memref<!tpu.dma_semaphore, #tpu.memory_space<semaphore_mem>>) attributes {dimension_semantics = [#tpu.dimension_semantics<core_parallel>, #tpu.dimension_semantics<subcore_parallel>], iteration_bounds = array<i64: 2, 16>, scalar_prefetch = 0 : i64, scratch_operands = 6 : i64, tpu.core_type = #tpu.core_type<sc_vector_subcore>, window_params = [{transform_indices = #map}, {transform_indices = #map}, {transform_indices = #map1}, {transform_indices = #map1}, {transform_indices = #map}]} {
    %mul3A = arith.constant 2 : i32
    %mul3A_0 = arith.muli %arg1, %mul3A : i32
    %add3A = arith.addi %mul3A_0, %arg0 : i32
    %mul3A_1 = arith.constant 640 : i32
    %mul3A_2 = arith.muli %arg1, %mul3A_1 : i32
    %eq3A = arith.constant 0 : i32
    %eq3A_3 = arith.cmpi eq, %arg0, %eq3A : i32
    %convert_element_type3A = arith.extui %eq3A_3 : i1 to i32
    %cond3A = arith.constant 0 : i32
    %cond3A_4 = arith.cmpi ne, %convert_element_type3A, %cond3A : i32
    scf.if %cond3A_4 {
      "tpu.region"() ({
        %run_scoped3A = tpu.sem_alloc : memref<!tpu.dma_semaphore, #tpu.memory_space<semaphore_mem>>
        %dma_start3A_163 = arith.constant 0 : i32
        %dma_start3A_164 = tpu.memref_slice %arg10[%mul3A_2, %dma_start3A_163] : memref<10240x40xf32, #tpu.memory_space<vmem_shared>> -> memref<640x40xf32, #tpu.memory_space<vmem_shared>>
        %dma_start3A_165 = arith.constant 0 : i32
        %dma_start3A_166 = tpu.memref_slice %arg4[%mul3A_2, %dma_start3A_165] : memref<10240x40xf32, #tpu.memory_space<hbm>> -> memref<640x40xf32, #tpu.memory_space<hbm>>
        tpu.enqueue_dma source(%dma_start3A_166 : memref<640x40xf32, #tpu.memory_space<hbm>>) target(%dma_start3A_164 : memref<640x40xf32, #tpu.memory_space<vmem_shared>>) target_semaphore(%run_scoped3A : memref<!tpu.dma_semaphore, #tpu.memory_space<semaphore_mem>>)
        %dma_wait3A_167 = arith.constant 0 : i32
        %dma_wait3A_168 = tpu.memref_slice %arg10[%mul3A_2, %dma_wait3A_167] : memref<10240x40xf32, #tpu.memory_space<vmem_shared>> -> memref<640x40xf32, #tpu.memory_space<vmem_shared>>
        %dma_wait3A_169 = arith.constant 0 : i32
        %dma_wait3A_170 = tpu.memref_slice %arg4[%mul3A_2, %dma_wait3A_169] : memref<10240x40xf32, #tpu.memory_space<hbm>> -> memref<640x40xf32, #tpu.memory_space<hbm>>
        tpu.wait_dma2 semaphore(%run_scoped3A : memref<!tpu.dma_semaphore, #tpu.memory_space<semaphore_mem>>) src(%dma_wait3A_170 : memref<640x40xf32, #tpu.memory_space<hbm>>) dst(%dma_wait3A_168 : memref<640x40xf32, #tpu.memory_space<vmem_shared>>)
        tpu.yield
      }) : () -> ()
    } else {
    }
    %ne3A = arith.constant 0 : i32
    %ne3A_5 = arith.cmpi ne, %arg0, %ne3A : i32
    %convert_element_type3A_6 = arith.extui %ne3A_5 : i1 to i32
    %cond3A_7 = arith.constant 0 : i32
    %cond3A_8 = arith.cmpi ne, %convert_element_type3A_6, %cond3A_7 : i32
    scf.if %cond3A_8 {
      "tpu.region"() ({
        %run_scoped3A = tpu.sem_alloc : memref<!tpu.dma_semaphore, #tpu.memory_space<semaphore_mem>>
        %dma_start3A_163 = arith.constant 0 : i32
        %dma_start3A_164 = tpu.memref_slice %arg10[%mul3A_2, %dma_start3A_163] : memref<10240x40xf32, #tpu.memory_space<vmem_shared>> -> memref<640x40xf32, #tpu.memory_space<vmem_shared>>
        %dma_start3A_165 = arith.constant 0 : i32
        %dma_start3A_166 = tpu.memref_slice %arg5[%mul3A_2, %dma_start3A_165] : memref<10240x40xf32, #tpu.memory_space<hbm>> -> memref<640x40xf32, #tpu.memory_space<hbm>>
        tpu.enqueue_dma source(%dma_start3A_166 : memref<640x40xf32, #tpu.memory_space<hbm>>) target(%dma_start3A_164 : memref<640x40xf32, #tpu.memory_space<vmem_shared>>) target_semaphore(%run_scoped3A : memref<!tpu.dma_semaphore, #tpu.memory_space<semaphore_mem>>)
        %dma_wait3A_167 = arith.constant 0 : i32
        %dma_wait3A_168 = tpu.memref_slice %arg10[%mul3A_2, %dma_wait3A_167] : memref<10240x40xf32, #tpu.memory_space<vmem_shared>> -> memref<640x40xf32, #tpu.memory_space<vmem_shared>>
        %dma_wait3A_169 = arith.constant 0 : i32
        %dma_wait3A_170 = tpu.memref_slice %arg5[%mul3A_2, %dma_wait3A_169] : memref<10240x40xf32, #tpu.memory_space<hbm>> -> memref<640x40xf32, #tpu.memory_space<hbm>>
        tpu.wait_dma2 semaphore(%run_scoped3A : memref<!tpu.dma_semaphore, #tpu.memory_space<semaphore_mem>>) src(%dma_wait3A_170 : memref<640x40xf32, #tpu.memory_space<hbm>>) dst(%dma_wait3A_168 : memref<640x40xf32, #tpu.memory_space<vmem_shared>>)
        tpu.yield
      }) : () -> ()
    } else {
    }
    "tpu.region"() ({
      %run_scoped3A = tpu.sem_alloc : memref<!tpu.dma_semaphore, #tpu.memory_space<semaphore_mem>>
      %dma_start3A_163 = arith.constant 0 : i32
      %dma_start3A_164 = arith.constant 0 : i32
      %dma_start3A_165 = tpu.memref_slice %arg2[%add3A, %dma_start3A_163, %dma_start3A_164] : memref<32x125x40xi32, #tpu.memory_space<hbm>> -> memref<1x125x40xi32, #tpu.memory_space<hbm>>
      %dma_start3A_166 = tpu.memref_squeeze %dma_start3A_165 : memref<1x125x40xi32, #tpu.memory_space<hbm>> -> memref<125x40xi32, #tpu.memory_space<hbm>>
      %dma_start3A_167 = arith.constant 0 : i32
      %dma_start3A_168 = arith.constant 0 : i32
      %dma_start3A_169 = tpu.memref_slice %arg2[%add3A, %dma_start3A_167, %dma_start3A_168] : memref<32x125x40xi32, #tpu.memory_space<hbm>> -> memref<1x125x40xi32, #tpu.memory_space<hbm>>
      %dma_start3A_170 = tpu.memref_squeeze %dma_start3A_169 : memref<1x125x40xi32, #tpu.memory_space<hbm>> -> memref<125x40xi32, #tpu.memory_space<hbm>>
      tpu.enqueue_dma source(%dma_start3A_170 : memref<125x40xi32, #tpu.memory_space<hbm>>) target(%arg7 : memref<125x40xi32, #tpu.memory_space<vmem>>) target_semaphore(%run_scoped3A : memref<!tpu.dma_semaphore, #tpu.memory_space<semaphore_mem>>)
      %dma_wait3A_171 = arith.constant 0 : i32
      %dma_wait3A_172 = arith.constant 0 : i32
      %dma_wait3A_173 = tpu.memref_slice %arg2[%add3A, %dma_wait3A_171, %dma_wait3A_172] : memref<32x125x40xi32, #tpu.memory_space<hbm>> -> memref<1x125x40xi32, #tpu.memory_space<hbm>>
      %dma_wait3A_174 = tpu.memref_squeeze %dma_wait3A_173 : memref<1x125x40xi32, #tpu.memory_space<hbm>> -> memref<125x40xi32, #tpu.memory_space<hbm>>
      %dma_wait3A_175 = arith.constant 0 : i32
      %dma_wait3A_176 = arith.constant 0 : i32
      %dma_wait3A_177 = tpu.memref_slice %arg2[%add3A, %dma_wait3A_175, %dma_wait3A_176] : memref<32x125x40xi32, #tpu.memory_space<hbm>> -> memref<1x125x40xi32, #tpu.memory_space<hbm>>
      %dma_wait3A_178 = tpu.memref_squeeze %dma_wait3A_177 : memref<1x125x40xi32, #tpu.memory_space<hbm>> -> memref<125x40xi32, #tpu.memory_space<hbm>>
      tpu.wait_dma2 semaphore(%run_scoped3A : memref<!tpu.dma_semaphore, #tpu.memory_space<semaphore_mem>>) src(%dma_wait3A_178 : memref<125x40xi32, #tpu.memory_space<hbm>>) dst(%arg7 : memref<125x40xi32, #tpu.memory_space<vmem>>)
      tpu.yield
    }) : () -> ()
    "tpu.region"() ({
      %run_scoped3A = tpu.sem_alloc : memref<!tpu.dma_semaphore, #tpu.memory_space<semaphore_mem>>
      %dma_start3A_163 = arith.constant 0 : i32
      %dma_start3A_164 = arith.constant 0 : i32
      %dma_start3A_165 = tpu.memref_slice %arg3[%add3A, %dma_start3A_163, %dma_start3A_164] : memref<32x125x40xi32, #tpu.memory_space<hbm>> -> memref<1x125x40xi32, #tpu.memory_space<hbm>>
      %dma_start3A_166 = tpu.memref_squeeze %dma_start3A_165 : memref<1x125x40xi32, #tpu.memory_space<hbm>> -> memref<125x40xi32, #tpu.memory_space<hbm>>
      %dma_start3A_167 = arith.constant 0 : i32
      %dma_start3A_168 = arith.constant 0 : i32
      %dma_start3A_169 = tpu.memref_slice %arg3[%add3A, %dma_start3A_167, %dma_start3A_168] : memref<32x125x40xi32, #tpu.memory_space<hbm>> -> memref<1x125x40xi32, #tpu.memory_space<hbm>>
      %dma_start3A_170 = tpu.memref_squeeze %dma_start3A_169 : memref<1x125x40xi32, #tpu.memory_space<hbm>> -> memref<125x40xi32, #tpu.memory_space<hbm>>
      tpu.enqueue_dma source(%dma_start3A_170 : memref<125x40xi32, #tpu.memory_space<hbm>>) target(%arg8 : memref<125x40xi32, #tpu.memory_space<vmem>>) target_semaphore(%run_scoped3A : memref<!tpu.dma_semaphore, #tpu.memory_space<semaphore_mem>>)
      %dma_wait3A_171 = arith.constant 0 : i32
      %dma_wait3A_172 = arith.constant 0 : i32
      %dma_wait3A_173 = tpu.memref_slice %arg3[%add3A, %dma_wait3A_171, %dma_wait3A_172] : memref<32x125x40xi32, #tpu.memory_space<hbm>> -> memref<1x125x40xi32, #tpu.memory_space<hbm>>
      %dma_wait3A_174 = tpu.memref_squeeze %dma_wait3A_173 : memref<1x125x40xi32, #tpu.memory_space<hbm>> -> memref<125x40xi32, #tpu.memory_space<hbm>>
      %dma_wait3A_175 = arith.constant 0 : i32
      %dma_wait3A_176 = arith.constant 0 : i32
      %dma_wait3A_177 = tpu.memref_slice %arg3[%add3A, %dma_wait3A_175, %dma_wait3A_176] : memref<32x125x40xi32, #tpu.memory_space<hbm>> -> memref<1x125x40xi32, #tpu.memory_space<hbm>>
      %dma_wait3A_178 = tpu.memref_squeeze %dma_wait3A_177 : memref<1x125x40xi32, #tpu.memory_space<hbm>> -> memref<125x40xi32, #tpu.memory_space<hbm>>
      tpu.wait_dma2 semaphore(%run_scoped3A : memref<!tpu.dma_semaphore, #tpu.memory_space<semaphore_mem>>) src(%dma_wait3A_178 : memref<125x40xi32, #tpu.memory_space<hbm>>) dst(%arg8 : memref<125x40xi32, #tpu.memory_space<vmem>>)
      tpu.yield
    }) : () -> ()
    %barrier3A = arith.constant 0 : index
    tpu.barrier barrier_id(%barrier3A)
    %dma_start3A = arith.constant 0 : i32
    %dma_start3A_9 = arith.constant 0 : i32
    %dma_start3A_10 = arith.constant 0 : i32
    %dma_start3A_11 = tpu.memref_slice %arg9[%dma_start3A_9, %dma_start3A_10] : memref<400x40xf32, #tpu.memory_space<vmem>> -> memref<40x40xf32, #tpu.memory_space<vmem>>
    %dma_start3A_12 = arith.constant 0 : i32
    %dma_start3A_13 = tpu.memref_slice %arg7[%dma_start3A, %dma_start3A_12] : memref<125x40xi32, #tpu.memory_space<vmem>> -> memref<1x40xi32, #tpu.memory_space<vmem>>
    %dma_start3A_14 = tpu.memref_squeeze %dma_start3A_13 : memref<1x40xi32, #tpu.memory_space<vmem>> -> memref<40xi32, #tpu.memory_space<vmem>>
    %dma_start3A_15 = arith.constant 0 : i32
    %dma_start3A_16 = arith.constant 0 : i32
    %dma_start3A_17 = tpu.memref_slice %arg4[%dma_start3A_15, %dma_start3A_16] : memref<10240x40xf32, #tpu.memory_space<hbm>> -> memref<10240x40xf32, #tpu.memory_space<hbm>>
    tpu.enqueue_indirect_dma source(%dma_start3A_17 : memref<10240x40xf32, #tpu.memory_space<hbm>>) target(%dma_start3A_11 : memref<40x40xf32, #tpu.memory_space<vmem>>) offsets(%dma_start3A_14 : memref<40xi32, #tpu.memory_space<vmem>>) semaphore(%arg11 : memref<!tpu.dma_semaphore, #tpu.memory_space<semaphore_mem>>)
    %dma_start3A_18 = arith.constant 1 : i32
    %dma_start3A_19 = arith.constant 40 : i32
    %dma_start3A_20 = arith.constant 0 : i32
    %dma_start3A_21 = tpu.memref_slice %arg9[%dma_start3A_19, %dma_start3A_20] : memref<400x40xf32, #tpu.memory_space<vmem>> -> memref<40x40xf32, #tpu.memory_space<vmem>>
    %dma_start3A_22 = arith.constant 0 : i32
    %dma_start3A_23 = tpu.memref_slice %arg7[%dma_start3A_18, %dma_start3A_22] : memref<125x40xi32, #tpu.memory_space<vmem>> -> memref<1x40xi32, #tpu.memory_space<vmem>>
    %dma_start3A_24 = tpu.memref_squeeze %dma_start3A_23 : memref<1x40xi32, #tpu.memory_space<vmem>> -> memref<40xi32, #tpu.memory_space<vmem>>
    %dma_start3A_25 = arith.constant 0 : i32
    %dma_start3A_26 = arith.constant 0 : i32
    %dma_start3A_27 = tpu.memref_slice %arg4[%dma_start3A_25, %dma_start3A_26] : memref<10240x40xf32, #tpu.memory_space<hbm>> -> memref<10240x40xf32, #tpu.memory_space<hbm>>
    tpu.enqueue_indirect_dma source(%dma_start3A_27 : memref<10240x40xf32, #tpu.memory_space<hbm>>) target(%dma_start3A_21 : memref<40x40xf32, #tpu.memory_space<vmem>>) offsets(%dma_start3A_24 : memref<40xi32, #tpu.memory_space<vmem>>) semaphore(%arg11 : memref<!tpu.dma_semaphore, #tpu.memory_space<semaphore_mem>>)
    %dma_start3A_28 = arith.constant 2 : i32
    %dma_start3A_29 = arith.constant 80 : i32
    %dma_start3A_30 = arith.constant 0 : i32
    %dma_start3A_31 = tpu.memref_slice %arg9[%dma_start3A_29, %dma_start3A_30] : memref<400x40xf32, #tpu.memory_space<vmem>> -> memref<40x40xf32, #tpu.memory_space<vmem>>
    %dma_start3A_32 = arith.constant 0 : i32
    %dma_start3A_33 = tpu.memref_slice %arg7[%dma_start3A_28, %dma_start3A_32] : memref<125x40xi32, #tpu.memory_space<vmem>> -> memref<1x40xi32, #tpu.memory_space<vmem>>
    %dma_start3A_34 = tpu.memref_squeeze %dma_start3A_33 : memref<1x40xi32, #tpu.memory_space<vmem>> -> memref<40xi32, #tpu.memory_space<vmem>>
    %dma_start3A_35 = arith.constant 0 : i32
    %dma_start3A_36 = arith.constant 0 : i32
    %dma_start3A_37 = tpu.memref_slice %arg4[%dma_start3A_35, %dma_start3A_36] : memref<10240x40xf32, #tpu.memory_space<hbm>> -> memref<10240x40xf32, #tpu.memory_space<hbm>>
    tpu.enqueue_indirect_dma source(%dma_start3A_37 : memref<10240x40xf32, #tpu.memory_space<hbm>>) target(%dma_start3A_31 : memref<40x40xf32, #tpu.memory_space<vmem>>) offsets(%dma_start3A_34 : memref<40xi32, #tpu.memory_space<vmem>>) semaphore(%arg11 : memref<!tpu.dma_semaphore, #tpu.memory_space<semaphore_mem>>)
    %dma_start3A_38 = arith.constant 3 : i32
    %dma_start3A_39 = arith.constant 120 : i32
    %dma_start3A_40 = arith.constant 0 : i32
    %dma_start3A_41 = tpu.memref_slice %arg9[%dma_start3A_39, %dma_start3A_40] : memref<400x40xf32, #tpu.memory_space<vmem>> -> memref<40x40xf32, #tpu.memory_space<vmem>>
    %dma_start3A_42 = arith.constant 0 : i32
    %dma_start3A_43 = tpu.memref_slice %arg7[%dma_start3A_38, %dma_start3A_42] : memref<125x40xi32, #tpu.memory_space<vmem>> -> memref<1x40xi32, #tpu.memory_space<vmem>>
    %dma_start3A_44 = tpu.memref_squeeze %dma_start3A_43 : memref<1x40xi32, #tpu.memory_space<vmem>> -> memref<40xi32, #tpu.memory_space<vmem>>
    %dma_start3A_45 = arith.constant 0 : i32
    %dma_start3A_46 = arith.constant 0 : i32
    %dma_start3A_47 = tpu.memref_slice %arg4[%dma_start3A_45, %dma_start3A_46] : memref<10240x40xf32, #tpu.memory_space<hbm>> -> memref<10240x40xf32, #tpu.memory_space<hbm>>
    tpu.enqueue_indirect_dma source(%dma_start3A_47 : memref<10240x40xf32, #tpu.memory_space<hbm>>) target(%dma_start3A_41 : memref<40x40xf32, #tpu.memory_space<vmem>>) offsets(%dma_start3A_44 : memref<40xi32, #tpu.memory_space<vmem>>) semaphore(%arg11 : memref<!tpu.dma_semaphore, #tpu.memory_space<semaphore_mem>>)
    %dma_start3A_48 = arith.constant 4 : i32
    %dma_start3A_49 = arith.constant 160 : i32
    %dma_start3A_50 = arith.constant 0 : i32
    %dma_start3A_51 = tpu.memref_slice %arg9[%dma_start3A_49, %dma_start3A_50] : memref<400x40xf32, #tpu.memory_space<vmem>> -> memref<40x40xf32, #tpu.memory_space<vmem>>
    %dma_start3A_52 = arith.constant 0 : i32
    %dma_start3A_53 = tpu.memref_slice %arg7[%dma_start3A_48, %dma_start3A_52] : memref<125x40xi32, #tpu.memory_space<vmem>> -> memref<1x40xi32, #tpu.memory_space<vmem>>
    %dma_start3A_54 = tpu.memref_squeeze %dma_start3A_53 : memref<1x40xi32, #tpu.memory_space<vmem>> -> memref<40xi32, #tpu.memory_space<vmem>>
    %dma_start3A_55 = arith.constant 0 : i32
    %dma_start3A_56 = arith.constant 0 : i32
    %dma_start3A_57 = tpu.memref_slice %arg4[%dma_start3A_55, %dma_start3A_56] : memref<10240x40xf32, #tpu.memory_space<hbm>> -> memref<10240x40xf32, #tpu.memory_space<hbm>>
    tpu.enqueue_indirect_dma source(%dma_start3A_57 : memref<10240x40xf32, #tpu.memory_space<hbm>>) target(%dma_start3A_51 : memref<40x40xf32, #tpu.memory_space<vmem>>) offsets(%dma_start3A_54 : memref<40xi32, #tpu.memory_space<vmem>>) semaphore(%arg11 : memref<!tpu.dma_semaphore, #tpu.memory_space<semaphore_mem>>)
    %scan3A = arith.constant 0 : i32
    %scan3A_58 = arith.constant 0 : i32
    %scan3A_59 = arith.constant 125 : i32
    %scan3A_60 = arith.addi %scan3A_58, %scan3A_59 : i32
    %scan3A_61 = arith.constant 1 : i32
    scf.for %scan3A_163 = %scan3A_58 to %scan3A_60 step %scan3A_61  : i32 {
      %jit3A = arith.constant 10 : i32
      %eq3A_164 = arith.constant 0 : i32
      %eq3A_165 = arith.cmpi eq, %jit3A, %eq3A_164 : i32
      %jit3A_166 = arith.constant 1 : i32
      %select_n3A = arith.select %eq3A_165, %jit3A_166, %jit3A : i32
      %rem3A = arith.remsi %scan3A_163, %select_n3A : i32
      %ne3A_167 = arith.constant 0 : i32
      %ne3A_168 = arith.cmpi ne, %rem3A, %ne3A_167 : i32
      %lt3A = arith.constant 0 : i32
      %lt3A_169 = arith.cmpi slt, %rem3A, %lt3A : i32
      %lt3A_170 = arith.constant 0 : i32
      %lt3A_171 = arith.cmpi slt, %select_n3A, %lt3A_170 : i32
      %ne3A_172 = arith.xori %lt3A_169, %lt3A_171 : i1
      %and3A = arith.andi %ne3A_172, %ne3A_168 : i1
      %add3A_173 = arith.addi %rem3A, %select_n3A : i32
      %select_n3A_174 = arith.select %and3A, %add3A_173, %rem3A : i32
      %mul3A_175 = arith.constant 40 : i32
      %mul3A_176 = arith.muli %select_n3A_174, %mul3A_175 : i32
      %dma_wait3A_177 = arith.constant 0 : i32
      %dma_wait3A_178 = tpu.memref_slice %arg9[%mul3A_176, %dma_wait3A_177] : memref<400x40xf32, #tpu.memory_space<vmem>> -> memref<40x40xf32, #tpu.memory_space<vmem>>
      %dma_wait3A_179 = arith.constant 0 : i32
      %dma_wait3A_180 = tpu.memref_slice %arg7[%scan3A_163, %dma_wait3A_179] : memref<125x40xi32, #tpu.memory_space<vmem>> -> memref<1x40xi32, #tpu.memory_space<vmem>>
      %dma_wait3A_181 = tpu.memref_squeeze %dma_wait3A_180 : memref<1x40xi32, #tpu.memory_space<vmem>> -> memref<40xi32, #tpu.memory_space<vmem>>
      %dma_wait3A_182 = arith.constant 0 : i32
      %dma_wait3A_183 = arith.constant 0 : i32
      %dma_wait3A_184 = tpu.memref_slice %arg4[%dma_wait3A_182, %dma_wait3A_183] : memref<10240x40xf32, #tpu.memory_space<hbm>> -> memref<10240x40xf32, #tpu.memory_space<hbm>>
      tpu.wait_indirect_dma semaphore(%arg11 : memref<!tpu.dma_semaphore, #tpu.memory_space<semaphore_mem>>) src(%dma_wait3A_184 : memref<10240x40xf32, #tpu.memory_space<hbm>>) dst(%dma_wait3A_178 : memref<40x40xf32, #tpu.memory_space<vmem>>)
      %jit3A_185 = arith.constant 10 : i32
      %eq3A_186 = arith.constant 0 : i32
      %eq3A_187 = arith.cmpi eq, %jit3A_185, %eq3A_186 : i32
      %jit3A_188 = arith.constant 1 : i32
      %select_n3A_189 = arith.select %eq3A_187, %jit3A_188, %jit3A_185 : i32
      %rem3A_190 = arith.remsi %scan3A_163, %select_n3A_189 : i32
      %ne3A_191 = arith.constant 0 : i32
      %ne3A_192 = arith.cmpi ne, %rem3A_190, %ne3A_191 : i32
      %lt3A_193 = arith.constant 0 : i32
      %lt3A_194 = arith.cmpi slt, %rem3A_190, %lt3A_193 : i32
      %lt3A_195 = arith.constant 0 : i32
      %lt3A_196 = arith.cmpi slt, %select_n3A_189, %lt3A_195 : i32
      %ne3A_197 = arith.xori %lt3A_194, %lt3A_196 : i1
      %and3A_198 = arith.andi %ne3A_197, %ne3A_192 : i1
      %add3A_199 = arith.addi %rem3A_190, %select_n3A_189 : i32
      %select_n3A_200 = arith.select %and3A_198, %add3A_199, %rem3A_190 : i32
      %mul3A_201 = arith.constant 40 : i32
      %mul3A_202 = arith.muli %select_n3A_200, %mul3A_201 : i32
      %dma_start3A_203 = arith.constant 0 : i32
      %dma_start3A_204 = tpu.memref_slice %arg9[%mul3A_202, %dma_start3A_203] : memref<400x40xf32, #tpu.memory_space<vmem>> -> memref<40x40xf32, #tpu.memory_space<vmem>>
      %dma_start3A_205 = arith.constant 0 : i32
      %dma_start3A_206 = tpu.memref_slice %arg8[%scan3A_163, %dma_start3A_205] : memref<125x40xi32, #tpu.memory_space<vmem>> -> memref<1x40xi32, #tpu.memory_space<vmem>>
      %dma_start3A_207 = tpu.memref_squeeze %dma_start3A_206 : memref<1x40xi32, #tpu.memory_space<vmem>> -> memref<40xi32, #tpu.memory_space<vmem>>
      %dma_start3A_208 = arith.constant 0 : i32
      %dma_start3A_209 = arith.constant 0 : i32
      %dma_start3A_210 = tpu.memref_slice %arg10[%dma_start3A_208, %dma_start3A_209] : memref<10240x40xf32, #tpu.memory_space<vmem_shared>> -> memref<10240x40xf32, #tpu.memory_space<vmem_shared>>
      tpu.enqueue_indirect_dma source(%dma_start3A_204 : memref<40x40xf32, #tpu.memory_space<vmem>>) target(%dma_start3A_210 : memref<10240x40xf32, #tpu.memory_space<vmem_shared>>) offsets(%dma_start3A_207 : memref<40xi32, #tpu.memory_space<vmem>>) semaphore(%arg12 : memref<!tpu.dma_semaphore, #tpu.memory_space<semaphore_mem>>) {add = true}
      %add3A_211 = arith.constant 5 : i32
      %add3A_212 = arith.addi %scan3A_163, %add3A_211 : i32
      %lt3A_213 = arith.constant 125 : i32
      %lt3A_214 = arith.cmpi slt, %add3A_212, %lt3A_213 : i32
      %convert_element_type3A_215 = arith.extui %lt3A_214 : i1 to i32
      %cond3A_216 = arith.constant 0 : i32
      %cond3A_217 = arith.cmpi ne, %convert_element_type3A_215, %cond3A_216 : i32
      scf.if %cond3A_217 {
        %ge3A = arith.constant 5 : i32
        %ge3A_218 = arith.cmpi sge, %scan3A_163, %ge3A : i32
        %convert_element_type3A_219 = arith.extui %ge3A_218 : i1 to i32
        %cond3A_220 = arith.constant 0 : i32
        %cond3A_221 = arith.cmpi ne, %convert_element_type3A_219, %cond3A_220 : i32
        scf.if %cond3A_221 {
          %sub3A = arith.constant 5 : i32
          %sub3A_250 = arith.subi %scan3A_163, %sub3A : i32
          %jit3A_251 = arith.constant 10 : i32
          %eq3A_252 = arith.constant 0 : i32
          %eq3A_253 = arith.cmpi eq, %jit3A_251, %eq3A_252 : i32
          %jit3A_254 = arith.constant 1 : i32
          %select_n3A_255 = arith.select %eq3A_253, %jit3A_254, %jit3A_251 : i32
          %rem3A_256 = arith.remsi %sub3A_250, %select_n3A_255 : i32
          %ne3A_257 = arith.constant 0 : i32
          %ne3A_258 = arith.cmpi ne, %rem3A_256, %ne3A_257 : i32
          %lt3A_259 = arith.constant 0 : i32
          %lt3A_260 = arith.cmpi slt, %rem3A_256, %lt3A_259 : i32
          %lt3A_261 = arith.constant 0 : i32
          %lt3A_262 = arith.cmpi slt, %select_n3A_255, %lt3A_261 : i32
          %ne3A_263 = arith.xori %lt3A_260, %lt3A_262 : i1
          %and3A_264 = arith.andi %ne3A_263, %ne3A_258 : i1
          %add3A_265 = arith.addi %rem3A_256, %select_n3A_255 : i32
          %select_n3A_266 = arith.select %and3A_264, %add3A_265, %rem3A_256 : i32
          %mul3A_267 = arith.constant 40 : i32
          %mul3A_268 = arith.muli %select_n3A_266, %mul3A_267 : i32
          %dma_wait3A_269 = arith.constant 0 : i32
          %dma_wait3A_270 = tpu.memref_slice %arg9[%mul3A_268, %dma_wait3A_269] : memref<400x40xf32, #tpu.memory_space<vmem>> -> memref<40x40xf32, #tpu.memory_space<vmem>>
          %dma_wait3A_271 = arith.constant 0 : i32
          %dma_wait3A_272 = tpu.memref_slice %arg8[%sub3A_250, %dma_wait3A_271] : memref<125x40xi32, #tpu.memory_space<vmem>> -> memref<1x40xi32, #tpu.memory_space<vmem>>
          %dma_wait3A_273 = tpu.memref_squeeze %dma_wait3A_272 : memref<1x40xi32, #tpu.memory_space<vmem>> -> memref<40xi32, #tpu.memory_space<vmem>>
          %dma_wait3A_274 = arith.constant 0 : i32
          %dma_wait3A_275 = arith.constant 0 : i32
          %dma_wait3A_276 = tpu.memref_slice %arg10[%dma_wait3A_274, %dma_wait3A_275] : memref<10240x40xf32, #tpu.memory_space<vmem_shared>> -> memref<10240x40xf32, #tpu.memory_space<vmem_shared>>
          tpu.wait_indirect_dma semaphore(%arg12 : memref<!tpu.dma_semaphore, #tpu.memory_space<semaphore_mem>>) src(%dma_wait3A_270 : memref<40x40xf32, #tpu.memory_space<vmem>>) dst(%dma_wait3A_276 : memref<10240x40xf32, #tpu.memory_space<vmem_shared>>)
        } else {
        }
        %add3A_222 = arith.constant 5 : i32
        %add3A_223 = arith.addi %scan3A_163, %add3A_222 : i32
        %jit3A_224 = arith.constant 10 : i32
        %eq3A_225 = arith.constant 0 : i32
        %eq3A_226 = arith.cmpi eq, %jit3A_224, %eq3A_225 : i32
        %jit3A_227 = arith.constant 1 : i32
        %select_n3A_228 = arith.select %eq3A_226, %jit3A_227, %jit3A_224 : i32
        %rem3A_229 = arith.remsi %add3A_223, %select_n3A_228 : i32
        %ne3A_230 = arith.constant 0 : i32
        %ne3A_231 = arith.cmpi ne, %rem3A_229, %ne3A_230 : i32
        %lt3A_232 = arith.constant 0 : i32
        %lt3A_233 = arith.cmpi slt, %rem3A_229, %lt3A_232 : i32
        %lt3A_234 = arith.constant 0 : i32
        %lt3A_235 = arith.cmpi slt, %select_n3A_228, %lt3A_234 : i32
        %ne3A_236 = arith.xori %lt3A_233, %lt3A_235 : i1
        %and3A_237 = arith.andi %ne3A_236, %ne3A_231 : i1
        %add3A_238 = arith.addi %rem3A_229, %select_n3A_228 : i32
        %select_n3A_239 = arith.select %and3A_237, %add3A_238, %rem3A_229 : i32
        %mul3A_240 = arith.constant 40 : i32
        %mul3A_241 = arith.muli %select_n3A_239, %mul3A_240 : i32
        %dma_start3A_242 = arith.constant 0 : i32
        %dma_start3A_243 = tpu.memref_slice %arg9[%mul3A_241, %dma_start3A_242] : memref<400x40xf32, #tpu.memory_space<vmem>> -> memref<40x40xf32, #tpu.memory_space<vmem>>
        %dma_start3A_244 = arith.constant 0 : i32
        %dma_start3A_245 = tpu.memref_slice %arg7[%add3A_223, %dma_start3A_244] : memref<125x40xi32, #tpu.memory_space<vmem>> -> memref<1x40xi32, #tpu.memory_space<vmem>>
        %dma_start3A_246 = tpu.memref_squeeze %dma_start3A_245 : memref<1x40xi32, #tpu.memory_space<vmem>> -> memref<40xi32, #tpu.memory_space<vmem>>
        %dma_start3A_247 = arith.constant 0 : i32
        %dma_start3A_248 = arith.constant 0 : i32
        %dma_start3A_249 = tpu.memref_slice %arg4[%dma_start3A_247, %dma_start3A_248] : memref<10240x40xf32, #tpu.memory_space<hbm>> -> memref<10240x40xf32, #tpu.memory_space<hbm>>
        tpu.enqueue_indirect_dma source(%dma_start3A_249 : memref<10240x40xf32, #tpu.memory_space<hbm>>) target(%dma_start3A_243 : memref<40x40xf32, #tpu.memory_space<vmem>>) offsets(%dma_start3A_246 : memref<40xi32, #tpu.memory_space<vmem>>) semaphore(%arg11 : memref<!tpu.dma_semaphore, #tpu.memory_space<semaphore_mem>>)
      } else {
      }
    }
    %scan3A_62 = arith.constant 125 : i32
    %dma_wait3A = arith.constant 115 : i32
    %dma_wait3A_63 = arith.constant 200 : i32
    %dma_wait3A_64 = arith.constant 0 : i32
    %dma_wait3A_65 = tpu.memref_slice %arg9[%dma_wait3A_63, %dma_wait3A_64] : memref<400x40xf32, #tpu.memory_space<vmem>> -> memref<40x40xf32, #tpu.memory_space<vmem>>
    %dma_wait3A_66 = arith.constant 0 : i32
    %dma_wait3A_67 = tpu.memref_slice %arg8[%dma_wait3A, %dma_wait3A_66] : memref<125x40xi32, #tpu.memory_space<vmem>> -> memref<1x40xi32, #tpu.memory_space<vmem>>
    %dma_wait3A_68 = tpu.memref_squeeze %dma_wait3A_67 : memref<1x40xi32, #tpu.memory_space<vmem>> -> memref<40xi32, #tpu.memory_space<vmem>>
    %dma_wait3A_69 = arith.constant 0 : i32
    %dma_wait3A_70 = arith.constant 0 : i32
    %dma_wait3A_71 = tpu.memref_slice %arg10[%dma_wait3A_69, %dma_wait3A_70] : memref<10240x40xf32, #tpu.memory_space<vmem_shared>> -> memref<10240x40xf32, #tpu.memory_space<vmem_shared>>
    tpu.wait_indirect_dma semaphore(%arg12 : memref<!tpu.dma_semaphore, #tpu.memory_space<semaphore_mem>>) src(%dma_wait3A_65 : memref<40x40xf32, #tpu.memory_space<vmem>>) dst(%dma_wait3A_71 : memref<10240x40xf32, #tpu.memory_space<vmem_shared>>)
    %dma_wait3A_72 = arith.constant 116 : i32
    %dma_wait3A_73 = arith.constant 240 : i32
    %dma_wait3A_74 = arith.constant 0 : i32
    %dma_wait3A_75 = tpu.memref_slice %arg9[%dma_wait3A_73, %dma_wait3A_74] : memref<400x40xf32, #tpu.memory_space<vmem>> -> memref<40x40xf32, #tpu.memory_space<vmem>>
    %dma_wait3A_76 = arith.constant 0 : i32
    %dma_wait3A_77 = tpu.memref_slice %arg8[%dma_wait3A_72, %dma_wait3A_76] : memref<125x40xi32, #tpu.memory_space<vmem>> -> memref<1x40xi32, #tpu.memory_space<vmem>>
    %dma_wait3A_78 = tpu.memref_squeeze %dma_wait3A_77 : memref<1x40xi32, #tpu.memory_space<vmem>> -> memref<40xi32, #tpu.memory_space<vmem>>
    %dma_wait3A_79 = arith.constant 0 : i32
    %dma_wait3A_80 = arith.constant 0 : i32
    %dma_wait3A_81 = tpu.memref_slice %arg10[%dma_wait3A_79, %dma_wait3A_80] : memref<10240x40xf32, #tpu.memory_space<vmem_shared>> -> memref<10240x40xf32, #tpu.memory_space<vmem_shared>>
    tpu.wait_indirect_dma semaphore(%arg12 : memref<!tpu.dma_semaphore, #tpu.memory_space<semaphore_mem>>) src(%dma_wait3A_75 : memref<40x40xf32, #tpu.memory_space<vmem>>) dst(%dma_wait3A_81 : memref<10240x40xf32, #tpu.memory_space<vmem_shared>>)
    %dma_wait3A_82 = arith.constant 117 : i32
    %dma_wait3A_83 = arith.constant 280 : i32
    %dma_wait3A_84 = arith.constant 0 : i32
    %dma_wait3A_85 = tpu.memref_slice %arg9[%dma_wait3A_83, %dma_wait3A_84] : memref<400x40xf32, #tpu.memory_space<vmem>> -> memref<40x40xf32, #tpu.memory_space<vmem>>
    %dma_wait3A_86 = arith.constant 0 : i32
    %dma_wait3A_87 = tpu.memref_slice %arg8[%dma_wait3A_82, %dma_wait3A_86] : memref<125x40xi32, #tpu.memory_space<vmem>> -> memref<1x40xi32, #tpu.memory_space<vmem>>
    %dma_wait3A_88 = tpu.memref_squeeze %dma_wait3A_87 : memref<1x40xi32, #tpu.memory_space<vmem>> -> memref<40xi32, #tpu.memory_space<vmem>>
    %dma_wait3A_89 = arith.constant 0 : i32
    %dma_wait3A_90 = arith.constant 0 : i32
    %dma_wait3A_91 = tpu.memref_slice %arg10[%dma_wait3A_89, %dma_wait3A_90] : memref<10240x40xf32, #tpu.memory_space<vmem_shared>> -> memref<10240x40xf32, #tpu.memory_space<vmem_shared>>
    tpu.wait_indirect_dma semaphore(%arg12 : memref<!tpu.dma_semaphore, #tpu.memory_space<semaphore_mem>>) src(%dma_wait3A_85 : memref<40x40xf32, #tpu.memory_space<vmem>>) dst(%dma_wait3A_91 : memref<10240x40xf32, #tpu.memory_space<vmem_shared>>)
    %dma_wait3A_92 = arith.constant 118 : i32
    %dma_wait3A_93 = arith.constant 320 : i32
    %dma_wait3A_94 = arith.constant 0 : i32
    %dma_wait3A_95 = tpu.memref_slice %arg9[%dma_wait3A_93, %dma_wait3A_94] : memref<400x40xf32, #tpu.memory_space<vmem>> -> memref<40x40xf32, #tpu.memory_space<vmem>>
    %dma_wait3A_96 = arith.constant 0 : i32
    %dma_wait3A_97 = tpu.memref_slice %arg8[%dma_wait3A_92, %dma_wait3A_96] : memref<125x40xi32, #tpu.memory_space<vmem>> -> memref<1x40xi32, #tpu.memory_space<vmem>>
    %dma_wait3A_98 = tpu.memref_squeeze %dma_wait3A_97 : memref<1x40xi32, #tpu.memory_space<vmem>> -> memref<40xi32, #tpu.memory_space<vmem>>
    %dma_wait3A_99 = arith.constant 0 : i32
    %dma_wait3A_100 = arith.constant 0 : i32
    %dma_wait3A_101 = tpu.memref_slice %arg10[%dma_wait3A_99, %dma_wait3A_100] : memref<10240x40xf32, #tpu.memory_space<vmem_shared>> -> memref<10240x40xf32, #tpu.memory_space<vmem_shared>>
    tpu.wait_indirect_dma semaphore(%arg12 : memref<!tpu.dma_semaphore, #tpu.memory_space<semaphore_mem>>) src(%dma_wait3A_95 : memref<40x40xf32, #tpu.memory_space<vmem>>) dst(%dma_wait3A_101 : memref<10240x40xf32, #tpu.memory_space<vmem_shared>>)
    %dma_wait3A_102 = arith.constant 119 : i32
    %dma_wait3A_103 = arith.constant 360 : i32
    %dma_wait3A_104 = arith.constant 0 : i32
    %dma_wait3A_105 = tpu.memref_slice %arg9[%dma_wait3A_103, %dma_wait3A_104] : memref<400x40xf32, #tpu.memory_space<vmem>> -> memref<40x40xf32, #tpu.memory_space<vmem>>
    %dma_wait3A_106 = arith.constant 0 : i32
    %dma_wait3A_107 = tpu.memref_slice %arg8[%dma_wait3A_102, %dma_wait3A_106] : memref<125x40xi32, #tpu.memory_space<vmem>> -> memref<1x40xi32, #tpu.memory_space<vmem>>
    %dma_wait3A_108 = tpu.memref_squeeze %dma_wait3A_107 : memref<1x40xi32, #tpu.memory_space<vmem>> -> memref<40xi32, #tpu.memory_space<vmem>>
    %dma_wait3A_109 = arith.constant 0 : i32
    %dma_wait3A_110 = arith.constant 0 : i32
    %dma_wait3A_111 = tpu.memref_slice %arg10[%dma_wait3A_109, %dma_wait3A_110] : memref<10240x40xf32, #tpu.memory_space<vmem_shared>> -> memref<10240x40xf32, #tpu.memory_space<vmem_shared>>
    tpu.wait_indirect_dma semaphore(%arg12 : memref<!tpu.dma_semaphore, #tpu.memory_space<semaphore_mem>>) src(%dma_wait3A_105 : memref<40x40xf32, #tpu.memory_space<vmem>>) dst(%dma_wait3A_111 : memref<10240x40xf32, #tpu.memory_space<vmem_shared>>)
    %dma_wait3A_112 = arith.constant 120 : i32
    %dma_wait3A_113 = arith.constant 0 : i32
    %dma_wait3A_114 = arith.constant 0 : i32
    %dma_wait3A_115 = tpu.memref_slice %arg9[%dma_wait3A_113, %dma_wait3A_114] : memref<400x40xf32, #tpu.memory_space<vmem>> -> memref<40x40xf32, #tpu.memory_space<vmem>>
    %dma_wait3A_116 = arith.constant 0 : i32
    %dma_wait3A_117 = tpu.memref_slice %arg8[%dma_wait3A_112, %dma_wait3A_116] : memref<125x40xi32, #tpu.memory_space<vmem>> -> memref<1x40xi32, #tpu.memory_space<vmem>>
    %dma_wait3A_118 = tpu.memref_squeeze %dma_wait3A_117 : memref<1x40xi32, #tpu.memory_space<vmem>> -> memref<40xi32, #tpu.memory_space<vmem>>
    %dma_wait3A_119 = arith.constant 0 : i32
    %dma_wait3A_120 = arith.constant 0 : i32
    %dma_wait3A_121 = tpu.memref_slice %arg10[%dma_wait3A_119, %dma_wait3A_120] : memref<10240x40xf32, #tpu.memory_space<vmem_shared>> -> memref<10240x40xf32, #tpu.memory_space<vmem_shared>>
    tpu.wait_indirect_dma semaphore(%arg12 : memref<!tpu.dma_semaphore, #tpu.memory_space<semaphore_mem>>) src(%dma_wait3A_115 : memref<40x40xf32, #tpu.memory_space<vmem>>) dst(%dma_wait3A_121 : memref<10240x40xf32, #tpu.memory_space<vmem_shared>>)
    %dma_wait3A_122 = arith.constant 121 : i32
    %dma_wait3A_123 = arith.constant 40 : i32
    %dma_wait3A_124 = arith.constant 0 : i32
    %dma_wait3A_125 = tpu.memref_slice %arg9[%dma_wait3A_123, %dma_wait3A_124] : memref<400x40xf32, #tpu.memory_space<vmem>> -> memref<40x40xf32, #tpu.memory_space<vmem>>
    %dma_wait3A_126 = arith.constant 0 : i32
    %dma_wait3A_127 = tpu.memref_slice %arg8[%dma_wait3A_122, %dma_wait3A_126] : memref<125x40xi32, #tpu.memory_space<vmem>> -> memref<1x40xi32, #tpu.memory_space<vmem>>
    %dma_wait3A_128 = tpu.memref_squeeze %dma_wait3A_127 : memref<1x40xi32, #tpu.memory_space<vmem>> -> memref<40xi32, #tpu.memory_space<vmem>>
    %dma_wait3A_129 = arith.constant 0 : i32
    %dma_wait3A_130 = arith.constant 0 : i32
    %dma_wait3A_131 = tpu.memref_slice %arg10[%dma_wait3A_129, %dma_wait3A_130] : memref<10240x40xf32, #tpu.memory_space<vmem_shared>> -> memref<10240x40xf32, #tpu.memory_space<vmem_shared>>
    tpu.wait_indirect_dma semaphore(%arg12 : memref<!tpu.dma_semaphore, #tpu.memory_space<semaphore_mem>>) src(%dma_wait3A_125 : memref<40x40xf32, #tpu.memory_space<vmem>>) dst(%dma_wait3A_131 : memref<10240x40xf32, #tpu.memory_space<vmem_shared>>)
    %dma_wait3A_132 = arith.constant 122 : i32
    %dma_wait3A_133 = arith.constant 80 : i32
    %dma_wait3A_134 = arith.constant 0 : i32
    %dma_wait3A_135 = tpu.memref_slice %arg9[%dma_wait3A_133, %dma_wait3A_134] : memref<400x40xf32, #tpu.memory_space<vmem>> -> memref<40x40xf32, #tpu.memory_space<vmem>>
    %dma_wait3A_136 = arith.constant 0 : i32
    %dma_wait3A_137 = tpu.memref_slice %arg8[%dma_wait3A_132, %dma_wait3A_136] : memref<125x40xi32, #tpu.memory_space<vmem>> -> memref<1x40xi32, #tpu.memory_space<vmem>>
    %dma_wait3A_138 = tpu.memref_squeeze %dma_wait3A_137 : memref<1x40xi32, #tpu.memory_space<vmem>> -> memref<40xi32, #tpu.memory_space<vmem>>
    %dma_wait3A_139 = arith.constant 0 : i32
    %dma_wait3A_140 = arith.constant 0 : i32
    %dma_wait3A_141 = tpu.memref_slice %arg10[%dma_wait3A_139, %dma_wait3A_140] : memref<10240x40xf32, #tpu.memory_space<vmem_shared>> -> memref<10240x40xf32, #tpu.memory_space<vmem_shared>>
    tpu.wait_indirect_dma semaphore(%arg12 : memref<!tpu.dma_semaphore, #tpu.memory_space<semaphore_mem>>) src(%dma_wait3A_135 : memref<40x40xf32, #tpu.memory_space<vmem>>) dst(%dma_wait3A_141 : memref<10240x40xf32, #tpu.memory_space<vmem_shared>>)
    %dma_wait3A_142 = arith.constant 123 : i32
    %dma_wait3A_143 = arith.constant 120 : i32
    %dma_wait3A_144 = arith.constant 0 : i32
    %dma_wait3A_145 = tpu.memref_slice %arg9[%dma_wait3A_143, %dma_wait3A_144] : memref<400x40xf32, #tpu.memory_space<vmem>> -> memref<40x40xf32, #tpu.memory_space<vmem>>
    %dma_wait3A_146 = arith.constant 0 : i32
    %dma_wait3A_147 = tpu.memref_slice %arg8[%dma_wait3A_142, %dma_wait3A_146] : memref<125x40xi32, #tpu.memory_space<vmem>> -> memref<1x40xi32, #tpu.memory_space<vmem>>
    %dma_wait3A_148 = tpu.memref_squeeze %dma_wait3A_147 : memref<1x40xi32, #tpu.memory_space<vmem>> -> memref<40xi32, #tpu.memory_space<vmem>>
    %dma_wait3A_149 = arith.constant 0 : i32
    %dma_wait3A_150 = arith.constant 0 : i32
    %dma_wait3A_151 = tpu.memref_slice %arg10[%dma_wait3A_149, %dma_wait3A_150] : memref<10240x40xf32, #tpu.memory_space<vmem_shared>> -> memref<10240x40xf32, #tpu.memory_space<vmem_shared>>
    tpu.wait_indirect_dma semaphore(%arg12 : memref<!tpu.dma_semaphore, #tpu.memory_space<semaphore_mem>>) src(%dma_wait3A_145 : memref<40x40xf32, #tpu.memory_space<vmem>>) dst(%dma_wait3A_151 : memref<10240x40xf32, #tpu.memory_space<vmem_shared>>)
    %dma_wait3A_152 = arith.constant 124 : i32
    %dma_wait3A_153 = arith.constant 160 : i32
    %dma_wait3A_154 = arith.constant 0 : i32
    %dma_wait3A_155 = tpu.memref_slice %arg9[%dma_wait3A_153, %dma_wait3A_154] : memref<400x40xf32, #tpu.memory_space<vmem>> -> memref<40x40xf32, #tpu.memory_space<vmem>>
    %dma_wait3A_156 = arith.constant 0 : i32
    %dma_wait3A_157 = tpu.memref_slice %arg8[%dma_wait3A_152, %dma_wait3A_156] : memref<125x40xi32, #tpu.memory_space<vmem>> -> memref<1x40xi32, #tpu.memory_space<vmem>>
    %dma_wait3A_158 = tpu.memref_squeeze %dma_wait3A_157 : memref<1x40xi32, #tpu.memory_space<vmem>> -> memref<40xi32, #tpu.memory_space<vmem>>
    %dma_wait3A_159 = arith.constant 0 : i32
    %dma_wait3A_160 = arith.constant 0 : i32
    %dma_wait3A_161 = tpu.memref_slice %arg10[%dma_wait3A_159, %dma_wait3A_160] : memref<10240x40xf32, #tpu.memory_space<vmem_shared>> -> memref<10240x40xf32, #tpu.memory_space<vmem_shared>>
    tpu.wait_indirect_dma semaphore(%arg12 : memref<!tpu.dma_semaphore, #tpu.memory_space<semaphore_mem>>) src(%dma_wait3A_155 : memref<40x40xf32, #tpu.memory_space<vmem>>) dst(%dma_wait3A_161 : memref<10240x40xf32, #tpu.memory_space<vmem_shared>>)
    %barrier3A_162 = arith.constant 0 : index
    tpu.barrier barrier_id(%barrier3A_162)
    "tpu.region"() ({
      %run_scoped3A = tpu.sem_alloc : memref<!tpu.dma_semaphore, #tpu.memory_space<semaphore_mem>>
      %dma_start3A_163 = arith.constant 0 : i32
      %dma_start3A_164 = arith.constant 0 : i32
      %dma_start3A_165 = tpu.memref_slice %arg6[%arg0, %dma_start3A_163, %dma_start3A_164] : memref<2x10240x40xf32, #tpu.memory_space<hbm>> -> memref<1x10240x40xf32, #tpu.memory_space<hbm>>
      %dma_start3A_166 = tpu.memref_squeeze %dma_start3A_165 : memref<1x10240x40xf32, #tpu.memory_space<hbm>> -> memref<10240x40xf32, #tpu.memory_space<hbm>>
      %dma_start3A_167 = arith.constant 0 : i32
      %dma_start3A_168 = tpu.memref_slice %dma_start3A_166[%mul3A_2, %dma_start3A_167] : memref<10240x40xf32, #tpu.memory_space<hbm>> -> memref<640x40xf32, #tpu.memory_space<hbm>>
      %dma_start3A_169 = arith.constant 0 : i32
      %dma_start3A_170 = tpu.memref_slice %arg10[%mul3A_2, %dma_start3A_169] : memref<10240x40xf32, #tpu.memory_space<vmem_shared>> -> memref<640x40xf32, #tpu.memory_space<vmem_shared>>
      tpu.enqueue_dma source(%dma_start3A_170 : memref<640x40xf32, #tpu.memory_space<vmem_shared>>) target(%dma_start3A_168 : memref<640x40xf32, #tpu.memory_space<hbm>>) target_semaphore(%run_scoped3A : memref<!tpu.dma_semaphore, #tpu.memory_space<semaphore_mem>>)
      %dma_wait3A_171 = arith.constant 0 : i32
      %dma_wait3A_172 = arith.constant 0 : i32
      %dma_wait3A_173 = tpu.memref_slice %arg6[%arg0, %dma_wait3A_171, %dma_wait3A_172] : memref<2x10240x40xf32, #tpu.memory_space<hbm>> -> memref<1x10240x40xf32, #tpu.memory_space<hbm>>
      %dma_wait3A_174 = tpu.memref_squeeze %dma_wait3A_173 : memref<1x10240x40xf32, #tpu.memory_space<hbm>> -> memref<10240x40xf32, #tpu.memory_space<hbm>>
      %dma_wait3A_175 = arith.constant 0 : i32
      %dma_wait3A_176 = tpu.memref_slice %dma_wait3A_174[%mul3A_2, %dma_wait3A_175] : memref<10240x40xf32, #tpu.memory_space<hbm>> -> memref<640x40xf32, #tpu.memory_space<hbm>>
      %dma_wait3A_177 = arith.constant 0 : i32
      %dma_wait3A_178 = tpu.memref_slice %arg10[%mul3A_2, %dma_wait3A_177] : memref<10240x40xf32, #tpu.memory_space<vmem_shared>> -> memref<640x40xf32, #tpu.memory_space<vmem_shared>>
      tpu.wait_dma2 semaphore(%run_scoped3A : memref<!tpu.dma_semaphore, #tpu.memory_space<semaphore_mem>>) src(%dma_wait3A_178 : memref<640x40xf32, #tpu.memory_space<vmem_shared>>) dst(%dma_wait3A_176 : memref<640x40xf32, #tpu.memory_space<hbm>>)
      tpu.yield
    }) : () -> ()
    return
  }
}

#map = affine_map<(d0, d1) -> (0, 0, 0)>
#map1 = affine_map<(d0, d1) -> (0, 0)>
module attributes {stable_mosaic.version = 14 : i64} {
  func.func @agg_kernel(%arg0: i32, %arg1: i32, %arg2: memref<32x125x40xi32, #tpu.memory_space<hbm>>, %arg3: memref<32x125x40xi32, #tpu.memory_space<hbm>>, %arg4: memref<10240x128xf32, #tpu.memory_space<hbm>>, %arg5: memref<10240x128xf32, #tpu.memory_space<hbm>>, %arg6: memref<2x10240x128xf32, #tpu.memory_space<hbm>>, %arg7: memref<125x40xi32, #tpu.memory_space<vmem>>, %arg8: memref<125x40xi32, #tpu.memory_space<vmem>>, %arg9: memref<280x128xf32, #tpu.memory_space<vmem>>, %arg10: memref<10240x128xf32, #tpu.memory_space<vmem_shared>>, %arg11: memref<!tpu.dma_semaphore, #tpu.memory_space<semaphore_mem>>, %arg12: memref<!tpu.dma_semaphore, #tpu.memory_space<semaphore_mem>>) attributes {dimension_semantics = [#tpu.dimension_semantics<core_parallel>, #tpu.dimension_semantics<subcore_parallel>], iteration_bounds = array<i64: 2, 16>, scalar_prefetch = 0 : i64, scratch_operands = 6 : i64, tpu.core_type = #tpu.core_type<sc_vector_subcore>, window_params = [{transform_indices = #map}, {transform_indices = #map}, {transform_indices = #map1}, {transform_indices = #map1}, {transform_indices = #map}]} {
    %mul3A = arith.constant 2 : i32
    %mul3A_0 = arith.muli %arg1, %mul3A : i32
    %add3A = arith.addi %mul3A_0, %arg0 : i32
    %mul3A_1 = arith.constant 640 : i32
    %mul3A_2 = arith.muli %arg1, %mul3A_1 : i32
    %eq3A = arith.constant 0 : i32
    %eq3A_3 = arith.cmpi eq, %arg0, %eq3A : i32
    %convert_element_type3A = arith.extui %eq3A_3 : i1 to i32
    %cond3A = arith.constant 0 : i32
    %cond3A_4 = arith.cmpi ne, %convert_element_type3A, %cond3A : i32
    scf.if %cond3A_4 {
      "tpu.region"() ({
        %run_scoped3A = tpu.sem_alloc : memref<!tpu.dma_semaphore, #tpu.memory_space<semaphore_mem>>
        %dma_start3A_123 = arith.constant 0 : i32
        %dma_start3A_124 = tpu.memref_slice %arg10[%mul3A_2, %dma_start3A_123] : memref<10240x128xf32, #tpu.memory_space<vmem_shared>> -> memref<640x128xf32, #tpu.memory_space<vmem_shared>>
        %dma_start3A_125 = arith.constant 0 : i32
        %dma_start3A_126 = tpu.memref_slice %arg4[%mul3A_2, %dma_start3A_125] : memref<10240x128xf32, #tpu.memory_space<hbm>> -> memref<640x128xf32, #tpu.memory_space<hbm>>
        tpu.enqueue_dma source(%dma_start3A_126 : memref<640x128xf32, #tpu.memory_space<hbm>>) target(%dma_start3A_124 : memref<640x128xf32, #tpu.memory_space<vmem_shared>>) target_semaphore(%run_scoped3A : memref<!tpu.dma_semaphore, #tpu.memory_space<semaphore_mem>>)
        %dma_wait3A_127 = arith.constant 0 : i32
        %dma_wait3A_128 = tpu.memref_slice %arg10[%mul3A_2, %dma_wait3A_127] : memref<10240x128xf32, #tpu.memory_space<vmem_shared>> -> memref<640x128xf32, #tpu.memory_space<vmem_shared>>
        %dma_wait3A_129 = arith.constant 0 : i32
        %dma_wait3A_130 = tpu.memref_slice %arg4[%mul3A_2, %dma_wait3A_129] : memref<10240x128xf32, #tpu.memory_space<hbm>> -> memref<640x128xf32, #tpu.memory_space<hbm>>
        tpu.wait_dma2 semaphore(%run_scoped3A : memref<!tpu.dma_semaphore, #tpu.memory_space<semaphore_mem>>) src(%dma_wait3A_130 : memref<640x128xf32, #tpu.memory_space<hbm>>) dst(%dma_wait3A_128 : memref<640x128xf32, #tpu.memory_space<vmem_shared>>)
        tpu.yield
      }) : () -> ()
    } else {
    }
    %ne3A = arith.constant 0 : i32
    %ne3A_5 = arith.cmpi ne, %arg0, %ne3A : i32
    %convert_element_type3A_6 = arith.extui %ne3A_5 : i1 to i32
    %cond3A_7 = arith.constant 0 : i32
    %cond3A_8 = arith.cmpi ne, %convert_element_type3A_6, %cond3A_7 : i32
    scf.if %cond3A_8 {
      "tpu.region"() ({
        %run_scoped3A = tpu.sem_alloc : memref<!tpu.dma_semaphore, #tpu.memory_space<semaphore_mem>>
        %dma_start3A_123 = arith.constant 0 : i32
        %dma_start3A_124 = tpu.memref_slice %arg10[%mul3A_2, %dma_start3A_123] : memref<10240x128xf32, #tpu.memory_space<vmem_shared>> -> memref<640x128xf32, #tpu.memory_space<vmem_shared>>
        %dma_start3A_125 = arith.constant 0 : i32
        %dma_start3A_126 = tpu.memref_slice %arg5[%mul3A_2, %dma_start3A_125] : memref<10240x128xf32, #tpu.memory_space<hbm>> -> memref<640x128xf32, #tpu.memory_space<hbm>>
        tpu.enqueue_dma source(%dma_start3A_126 : memref<640x128xf32, #tpu.memory_space<hbm>>) target(%dma_start3A_124 : memref<640x128xf32, #tpu.memory_space<vmem_shared>>) target_semaphore(%run_scoped3A : memref<!tpu.dma_semaphore, #tpu.memory_space<semaphore_mem>>)
        %dma_wait3A_127 = arith.constant 0 : i32
        %dma_wait3A_128 = tpu.memref_slice %arg10[%mul3A_2, %dma_wait3A_127] : memref<10240x128xf32, #tpu.memory_space<vmem_shared>> -> memref<640x128xf32, #tpu.memory_space<vmem_shared>>
        %dma_wait3A_129 = arith.constant 0 : i32
        %dma_wait3A_130 = tpu.memref_slice %arg5[%mul3A_2, %dma_wait3A_129] : memref<10240x128xf32, #tpu.memory_space<hbm>> -> memref<640x128xf32, #tpu.memory_space<hbm>>
        tpu.wait_dma2 semaphore(%run_scoped3A : memref<!tpu.dma_semaphore, #tpu.memory_space<semaphore_mem>>) src(%dma_wait3A_130 : memref<640x128xf32, #tpu.memory_space<hbm>>) dst(%dma_wait3A_128 : memref<640x128xf32, #tpu.memory_space<vmem_shared>>)
        tpu.yield
      }) : () -> ()
    } else {
    }
    "tpu.region"() ({
      %run_scoped3A = tpu.sem_alloc : memref<!tpu.dma_semaphore, #tpu.memory_space<semaphore_mem>>
      %dma_start3A_123 = arith.constant 0 : i32
      %dma_start3A_124 = arith.constant 0 : i32
      %dma_start3A_125 = tpu.memref_slice %arg2[%add3A, %dma_start3A_123, %dma_start3A_124] : memref<32x125x40xi32, #tpu.memory_space<hbm>> -> memref<1x125x40xi32, #tpu.memory_space<hbm>>
      %dma_start3A_126 = tpu.memref_squeeze %dma_start3A_125 : memref<1x125x40xi32, #tpu.memory_space<hbm>> -> memref<125x40xi32, #tpu.memory_space<hbm>>
      %dma_start3A_127 = arith.constant 0 : i32
      %dma_start3A_128 = arith.constant 0 : i32
      %dma_start3A_129 = tpu.memref_slice %arg2[%add3A, %dma_start3A_127, %dma_start3A_128] : memref<32x125x40xi32, #tpu.memory_space<hbm>> -> memref<1x125x40xi32, #tpu.memory_space<hbm>>
      %dma_start3A_130 = tpu.memref_squeeze %dma_start3A_129 : memref<1x125x40xi32, #tpu.memory_space<hbm>> -> memref<125x40xi32, #tpu.memory_space<hbm>>
      tpu.enqueue_dma source(%dma_start3A_130 : memref<125x40xi32, #tpu.memory_space<hbm>>) target(%arg7 : memref<125x40xi32, #tpu.memory_space<vmem>>) target_semaphore(%run_scoped3A : memref<!tpu.dma_semaphore, #tpu.memory_space<semaphore_mem>>)
      %dma_wait3A_131 = arith.constant 0 : i32
      %dma_wait3A_132 = arith.constant 0 : i32
      %dma_wait3A_133 = tpu.memref_slice %arg2[%add3A, %dma_wait3A_131, %dma_wait3A_132] : memref<32x125x40xi32, #tpu.memory_space<hbm>> -> memref<1x125x40xi32, #tpu.memory_space<hbm>>
      %dma_wait3A_134 = tpu.memref_squeeze %dma_wait3A_133 : memref<1x125x40xi32, #tpu.memory_space<hbm>> -> memref<125x40xi32, #tpu.memory_space<hbm>>
      %dma_wait3A_135 = arith.constant 0 : i32
      %dma_wait3A_136 = arith.constant 0 : i32
      %dma_wait3A_137 = tpu.memref_slice %arg2[%add3A, %dma_wait3A_135, %dma_wait3A_136] : memref<32x125x40xi32, #tpu.memory_space<hbm>> -> memref<1x125x40xi32, #tpu.memory_space<hbm>>
      %dma_wait3A_138 = tpu.memref_squeeze %dma_wait3A_137 : memref<1x125x40xi32, #tpu.memory_space<hbm>> -> memref<125x40xi32, #tpu.memory_space<hbm>>
      tpu.wait_dma2 semaphore(%run_scoped3A : memref<!tpu.dma_semaphore, #tpu.memory_space<semaphore_mem>>) src(%dma_wait3A_138 : memref<125x40xi32, #tpu.memory_space<hbm>>) dst(%arg7 : memref<125x40xi32, #tpu.memory_space<vmem>>)
      tpu.yield
    }) : () -> ()
    "tpu.region"() ({
      %run_scoped3A = tpu.sem_alloc : memref<!tpu.dma_semaphore, #tpu.memory_space<semaphore_mem>>
      %dma_start3A_123 = arith.constant 0 : i32
      %dma_start3A_124 = arith.constant 0 : i32
      %dma_start3A_125 = tpu.memref_slice %arg3[%add3A, %dma_start3A_123, %dma_start3A_124] : memref<32x125x40xi32, #tpu.memory_space<hbm>> -> memref<1x125x40xi32, #tpu.memory_space<hbm>>
      %dma_start3A_126 = tpu.memref_squeeze %dma_start3A_125 : memref<1x125x40xi32, #tpu.memory_space<hbm>> -> memref<125x40xi32, #tpu.memory_space<hbm>>
      %dma_start3A_127 = arith.constant 0 : i32
      %dma_start3A_128 = arith.constant 0 : i32
      %dma_start3A_129 = tpu.memref_slice %arg3[%add3A, %dma_start3A_127, %dma_start3A_128] : memref<32x125x40xi32, #tpu.memory_space<hbm>> -> memref<1x125x40xi32, #tpu.memory_space<hbm>>
      %dma_start3A_130 = tpu.memref_squeeze %dma_start3A_129 : memref<1x125x40xi32, #tpu.memory_space<hbm>> -> memref<125x40xi32, #tpu.memory_space<hbm>>
      tpu.enqueue_dma source(%dma_start3A_130 : memref<125x40xi32, #tpu.memory_space<hbm>>) target(%arg8 : memref<125x40xi32, #tpu.memory_space<vmem>>) target_semaphore(%run_scoped3A : memref<!tpu.dma_semaphore, #tpu.memory_space<semaphore_mem>>)
      %dma_wait3A_131 = arith.constant 0 : i32
      %dma_wait3A_132 = arith.constant 0 : i32
      %dma_wait3A_133 = tpu.memref_slice %arg3[%add3A, %dma_wait3A_131, %dma_wait3A_132] : memref<32x125x40xi32, #tpu.memory_space<hbm>> -> memref<1x125x40xi32, #tpu.memory_space<hbm>>
      %dma_wait3A_134 = tpu.memref_squeeze %dma_wait3A_133 : memref<1x125x40xi32, #tpu.memory_space<hbm>> -> memref<125x40xi32, #tpu.memory_space<hbm>>
      %dma_wait3A_135 = arith.constant 0 : i32
      %dma_wait3A_136 = arith.constant 0 : i32
      %dma_wait3A_137 = tpu.memref_slice %arg3[%add3A, %dma_wait3A_135, %dma_wait3A_136] : memref<32x125x40xi32, #tpu.memory_space<hbm>> -> memref<1x125x40xi32, #tpu.memory_space<hbm>>
      %dma_wait3A_138 = tpu.memref_squeeze %dma_wait3A_137 : memref<1x125x40xi32, #tpu.memory_space<hbm>> -> memref<125x40xi32, #tpu.memory_space<hbm>>
      tpu.wait_dma2 semaphore(%run_scoped3A : memref<!tpu.dma_semaphore, #tpu.memory_space<semaphore_mem>>) src(%dma_wait3A_138 : memref<125x40xi32, #tpu.memory_space<hbm>>) dst(%arg8 : memref<125x40xi32, #tpu.memory_space<vmem>>)
      tpu.yield
    }) : () -> ()
    %barrier3A = arith.constant 0 : index
    tpu.barrier barrier_id(%barrier3A)
    %dma_start3A = arith.constant 0 : i32
    %dma_start3A_9 = arith.constant 0 : i32
    %dma_start3A_10 = arith.constant 0 : i32
    %dma_start3A_11 = tpu.memref_slice %arg9[%dma_start3A_9, %dma_start3A_10] : memref<280x128xf32, #tpu.memory_space<vmem>> -> memref<40x128xf32, #tpu.memory_space<vmem>>
    %dma_start3A_12 = arith.constant 0 : i32
    %dma_start3A_13 = tpu.memref_slice %arg7[%dma_start3A, %dma_start3A_12] : memref<125x40xi32, #tpu.memory_space<vmem>> -> memref<1x40xi32, #tpu.memory_space<vmem>>
    %dma_start3A_14 = tpu.memref_squeeze %dma_start3A_13 : memref<1x40xi32, #tpu.memory_space<vmem>> -> memref<40xi32, #tpu.memory_space<vmem>>
    %dma_start3A_15 = arith.constant 0 : i32
    %dma_start3A_16 = arith.constant 0 : i32
    %dma_start3A_17 = tpu.memref_slice %arg4[%dma_start3A_15, %dma_start3A_16] : memref<10240x128xf32, #tpu.memory_space<hbm>> -> memref<10240x128xf32, #tpu.memory_space<hbm>>
    tpu.enqueue_indirect_dma source(%dma_start3A_17 : memref<10240x128xf32, #tpu.memory_space<hbm>>) target(%dma_start3A_11 : memref<40x128xf32, #tpu.memory_space<vmem>>) offsets(%dma_start3A_14 : memref<40xi32, #tpu.memory_space<vmem>>) semaphore(%arg11 : memref<!tpu.dma_semaphore, #tpu.memory_space<semaphore_mem>>)
    %dma_start3A_18 = arith.constant 1 : i32
    %dma_start3A_19 = arith.constant 40 : i32
    %dma_start3A_20 = arith.constant 0 : i32
    %dma_start3A_21 = tpu.memref_slice %arg9[%dma_start3A_19, %dma_start3A_20] : memref<280x128xf32, #tpu.memory_space<vmem>> -> memref<40x128xf32, #tpu.memory_space<vmem>>
    %dma_start3A_22 = arith.constant 0 : i32
    %dma_start3A_23 = tpu.memref_slice %arg7[%dma_start3A_18, %dma_start3A_22] : memref<125x40xi32, #tpu.memory_space<vmem>> -> memref<1x40xi32, #tpu.memory_space<vmem>>
    %dma_start3A_24 = tpu.memref_squeeze %dma_start3A_23 : memref<1x40xi32, #tpu.memory_space<vmem>> -> memref<40xi32, #tpu.memory_space<vmem>>
    %dma_start3A_25 = arith.constant 0 : i32
    %dma_start3A_26 = arith.constant 0 : i32
    %dma_start3A_27 = tpu.memref_slice %arg4[%dma_start3A_25, %dma_start3A_26] : memref<10240x128xf32, #tpu.memory_space<hbm>> -> memref<10240x128xf32, #tpu.memory_space<hbm>>
    tpu.enqueue_indirect_dma source(%dma_start3A_27 : memref<10240x128xf32, #tpu.memory_space<hbm>>) target(%dma_start3A_21 : memref<40x128xf32, #tpu.memory_space<vmem>>) offsets(%dma_start3A_24 : memref<40xi32, #tpu.memory_space<vmem>>) semaphore(%arg11 : memref<!tpu.dma_semaphore, #tpu.memory_space<semaphore_mem>>)
    %dma_start3A_28 = arith.constant 2 : i32
    %dma_start3A_29 = arith.constant 80 : i32
    %dma_start3A_30 = arith.constant 0 : i32
    %dma_start3A_31 = tpu.memref_slice %arg9[%dma_start3A_29, %dma_start3A_30] : memref<280x128xf32, #tpu.memory_space<vmem>> -> memref<40x128xf32, #tpu.memory_space<vmem>>
    %dma_start3A_32 = arith.constant 0 : i32
    %dma_start3A_33 = tpu.memref_slice %arg7[%dma_start3A_28, %dma_start3A_32] : memref<125x40xi32, #tpu.memory_space<vmem>> -> memref<1x40xi32, #tpu.memory_space<vmem>>
    %dma_start3A_34 = tpu.memref_squeeze %dma_start3A_33 : memref<1x40xi32, #tpu.memory_space<vmem>> -> memref<40xi32, #tpu.memory_space<vmem>>
    %dma_start3A_35 = arith.constant 0 : i32
    %dma_start3A_36 = arith.constant 0 : i32
    %dma_start3A_37 = tpu.memref_slice %arg4[%dma_start3A_35, %dma_start3A_36] : memref<10240x128xf32, #tpu.memory_space<hbm>> -> memref<10240x128xf32, #tpu.memory_space<hbm>>
    tpu.enqueue_indirect_dma source(%dma_start3A_37 : memref<10240x128xf32, #tpu.memory_space<hbm>>) target(%dma_start3A_31 : memref<40x128xf32, #tpu.memory_space<vmem>>) offsets(%dma_start3A_34 : memref<40xi32, #tpu.memory_space<vmem>>) semaphore(%arg11 : memref<!tpu.dma_semaphore, #tpu.memory_space<semaphore_mem>>)
    %dma_start3A_38 = arith.constant 3 : i32
    %dma_start3A_39 = arith.constant 120 : i32
    %dma_start3A_40 = arith.constant 0 : i32
    %dma_start3A_41 = tpu.memref_slice %arg9[%dma_start3A_39, %dma_start3A_40] : memref<280x128xf32, #tpu.memory_space<vmem>> -> memref<40x128xf32, #tpu.memory_space<vmem>>
    %dma_start3A_42 = arith.constant 0 : i32
    %dma_start3A_43 = tpu.memref_slice %arg7[%dma_start3A_38, %dma_start3A_42] : memref<125x40xi32, #tpu.memory_space<vmem>> -> memref<1x40xi32, #tpu.memory_space<vmem>>
    %dma_start3A_44 = tpu.memref_squeeze %dma_start3A_43 : memref<1x40xi32, #tpu.memory_space<vmem>> -> memref<40xi32, #tpu.memory_space<vmem>>
    %dma_start3A_45 = arith.constant 0 : i32
    %dma_start3A_46 = arith.constant 0 : i32
    %dma_start3A_47 = tpu.memref_slice %arg4[%dma_start3A_45, %dma_start3A_46] : memref<10240x128xf32, #tpu.memory_space<hbm>> -> memref<10240x128xf32, #tpu.memory_space<hbm>>
    tpu.enqueue_indirect_dma source(%dma_start3A_47 : memref<10240x128xf32, #tpu.memory_space<hbm>>) target(%dma_start3A_41 : memref<40x128xf32, #tpu.memory_space<vmem>>) offsets(%dma_start3A_44 : memref<40xi32, #tpu.memory_space<vmem>>) semaphore(%arg11 : memref<!tpu.dma_semaphore, #tpu.memory_space<semaphore_mem>>)
    %scan3A = arith.constant 0 : i32
    %scan3A_48 = arith.constant 0 : i32
    %scan3A_49 = arith.constant 125 : i32
    %scan3A_50 = arith.addi %scan3A_48, %scan3A_49 : i32
    %scan3A_51 = arith.constant 1 : i32
    scf.for %scan3A_123 = %scan3A_48 to %scan3A_50 step %scan3A_51  : i32 {
      %jit3A = arith.constant 7 : i32
      %eq3A_124 = arith.constant 0 : i32
      %eq3A_125 = arith.cmpi eq, %jit3A, %eq3A_124 : i32
      %jit3A_126 = arith.constant 1 : i32
      %select_n3A = arith.select %eq3A_125, %jit3A_126, %jit3A : i32
      %rem3A = arith.remsi %scan3A_123, %select_n3A : i32
      %ne3A_127 = arith.constant 0 : i32
      %ne3A_128 = arith.cmpi ne, %rem3A, %ne3A_127 : i32
      %lt3A = arith.constant 0 : i32
      %lt3A_129 = arith.cmpi slt, %rem3A, %lt3A : i32
      %lt3A_130 = arith.constant 0 : i32
      %lt3A_131 = arith.cmpi slt, %select_n3A, %lt3A_130 : i32
      %ne3A_132 = arith.xori %lt3A_129, %lt3A_131 : i1
      %and3A = arith.andi %ne3A_132, %ne3A_128 : i1
      %add3A_133 = arith.addi %rem3A, %select_n3A : i32
      %select_n3A_134 = arith.select %and3A, %add3A_133, %rem3A : i32
      %mul3A_135 = arith.constant 40 : i32
      %mul3A_136 = arith.muli %select_n3A_134, %mul3A_135 : i32
      %dma_wait3A_137 = arith.constant 0 : i32
      %dma_wait3A_138 = tpu.memref_slice %arg9[%mul3A_136, %dma_wait3A_137] : memref<280x128xf32, #tpu.memory_space<vmem>> -> memref<40x128xf32, #tpu.memory_space<vmem>>
      %dma_wait3A_139 = arith.constant 0 : i32
      %dma_wait3A_140 = tpu.memref_slice %arg7[%scan3A_123, %dma_wait3A_139] : memref<125x40xi32, #tpu.memory_space<vmem>> -> memref<1x40xi32, #tpu.memory_space<vmem>>
      %dma_wait3A_141 = tpu.memref_squeeze %dma_wait3A_140 : memref<1x40xi32, #tpu.memory_space<vmem>> -> memref<40xi32, #tpu.memory_space<vmem>>
      %dma_wait3A_142 = arith.constant 0 : i32
      %dma_wait3A_143 = arith.constant 0 : i32
      %dma_wait3A_144 = tpu.memref_slice %arg4[%dma_wait3A_142, %dma_wait3A_143] : memref<10240x128xf32, #tpu.memory_space<hbm>> -> memref<10240x128xf32, #tpu.memory_space<hbm>>
      tpu.wait_indirect_dma semaphore(%arg11 : memref<!tpu.dma_semaphore, #tpu.memory_space<semaphore_mem>>) src(%dma_wait3A_144 : memref<10240x128xf32, #tpu.memory_space<hbm>>) dst(%dma_wait3A_138 : memref<40x128xf32, #tpu.memory_space<vmem>>)
      %jit3A_145 = arith.constant 7 : i32
      %eq3A_146 = arith.constant 0 : i32
      %eq3A_147 = arith.cmpi eq, %jit3A_145, %eq3A_146 : i32
      %jit3A_148 = arith.constant 1 : i32
      %select_n3A_149 = arith.select %eq3A_147, %jit3A_148, %jit3A_145 : i32
      %rem3A_150 = arith.remsi %scan3A_123, %select_n3A_149 : i32
      %ne3A_151 = arith.constant 0 : i32
      %ne3A_152 = arith.cmpi ne, %rem3A_150, %ne3A_151 : i32
      %lt3A_153 = arith.constant 0 : i32
      %lt3A_154 = arith.cmpi slt, %rem3A_150, %lt3A_153 : i32
      %lt3A_155 = arith.constant 0 : i32
      %lt3A_156 = arith.cmpi slt, %select_n3A_149, %lt3A_155 : i32
      %ne3A_157 = arith.xori %lt3A_154, %lt3A_156 : i1
      %and3A_158 = arith.andi %ne3A_157, %ne3A_152 : i1
      %add3A_159 = arith.addi %rem3A_150, %select_n3A_149 : i32
      %select_n3A_160 = arith.select %and3A_158, %add3A_159, %rem3A_150 : i32
      %mul3A_161 = arith.constant 40 : i32
      %mul3A_162 = arith.muli %select_n3A_160, %mul3A_161 : i32
      %dma_start3A_163 = arith.constant 0 : i32
      %dma_start3A_164 = tpu.memref_slice %arg9[%mul3A_162, %dma_start3A_163] : memref<280x128xf32, #tpu.memory_space<vmem>> -> memref<40x128xf32, #tpu.memory_space<vmem>>
      %dma_start3A_165 = arith.constant 0 : i32
      %dma_start3A_166 = tpu.memref_slice %arg8[%scan3A_123, %dma_start3A_165] : memref<125x40xi32, #tpu.memory_space<vmem>> -> memref<1x40xi32, #tpu.memory_space<vmem>>
      %dma_start3A_167 = tpu.memref_squeeze %dma_start3A_166 : memref<1x40xi32, #tpu.memory_space<vmem>> -> memref<40xi32, #tpu.memory_space<vmem>>
      %dma_start3A_168 = arith.constant 0 : i32
      %dma_start3A_169 = arith.constant 0 : i32
      %dma_start3A_170 = tpu.memref_slice %arg10[%dma_start3A_168, %dma_start3A_169] : memref<10240x128xf32, #tpu.memory_space<vmem_shared>> -> memref<10240x128xf32, #tpu.memory_space<vmem_shared>>
      tpu.enqueue_indirect_dma source(%dma_start3A_164 : memref<40x128xf32, #tpu.memory_space<vmem>>) target(%dma_start3A_170 : memref<10240x128xf32, #tpu.memory_space<vmem_shared>>) offsets(%dma_start3A_167 : memref<40xi32, #tpu.memory_space<vmem>>) semaphore(%arg12 : memref<!tpu.dma_semaphore, #tpu.memory_space<semaphore_mem>>) {add = true}
      %add3A_171 = arith.constant 4 : i32
      %add3A_172 = arith.addi %scan3A_123, %add3A_171 : i32
      %lt3A_173 = arith.constant 125 : i32
      %lt3A_174 = arith.cmpi slt, %add3A_172, %lt3A_173 : i32
      %convert_element_type3A_175 = arith.extui %lt3A_174 : i1 to i32
      %cond3A_176 = arith.constant 0 : i32
      %cond3A_177 = arith.cmpi ne, %convert_element_type3A_175, %cond3A_176 : i32
      scf.if %cond3A_177 {
        %ge3A = arith.constant 3 : i32
        %ge3A_178 = arith.cmpi sge, %scan3A_123, %ge3A : i32
        %convert_element_type3A_179 = arith.extui %ge3A_178 : i1 to i32
        %cond3A_180 = arith.constant 0 : i32
        %cond3A_181 = arith.cmpi ne, %convert_element_type3A_179, %cond3A_180 : i32
        scf.if %cond3A_181 {
          %sub3A = arith.constant 3 : i32
          %sub3A_210 = arith.subi %scan3A_123, %sub3A : i32
          %jit3A_211 = arith.constant 7 : i32
          %eq3A_212 = arith.constant 0 : i32
          %eq3A_213 = arith.cmpi eq, %jit3A_211, %eq3A_212 : i32
          %jit3A_214 = arith.constant 1 : i32
          %select_n3A_215 = arith.select %eq3A_213, %jit3A_214, %jit3A_211 : i32
          %rem3A_216 = arith.remsi %sub3A_210, %select_n3A_215 : i32
          %ne3A_217 = arith.constant 0 : i32
          %ne3A_218 = arith.cmpi ne, %rem3A_216, %ne3A_217 : i32
          %lt3A_219 = arith.constant 0 : i32
          %lt3A_220 = arith.cmpi slt, %rem3A_216, %lt3A_219 : i32
          %lt3A_221 = arith.constant 0 : i32
          %lt3A_222 = arith.cmpi slt, %select_n3A_215, %lt3A_221 : i32
          %ne3A_223 = arith.xori %lt3A_220, %lt3A_222 : i1
          %and3A_224 = arith.andi %ne3A_223, %ne3A_218 : i1
          %add3A_225 = arith.addi %rem3A_216, %select_n3A_215 : i32
          %select_n3A_226 = arith.select %and3A_224, %add3A_225, %rem3A_216 : i32
          %mul3A_227 = arith.constant 40 : i32
          %mul3A_228 = arith.muli %select_n3A_226, %mul3A_227 : i32
          %dma_wait3A_229 = arith.constant 0 : i32
          %dma_wait3A_230 = tpu.memref_slice %arg9[%mul3A_228, %dma_wait3A_229] : memref<280x128xf32, #tpu.memory_space<vmem>> -> memref<40x128xf32, #tpu.memory_space<vmem>>
          %dma_wait3A_231 = arith.constant 0 : i32
          %dma_wait3A_232 = tpu.memref_slice %arg8[%sub3A_210, %dma_wait3A_231] : memref<125x40xi32, #tpu.memory_space<vmem>> -> memref<1x40xi32, #tpu.memory_space<vmem>>
          %dma_wait3A_233 = tpu.memref_squeeze %dma_wait3A_232 : memref<1x40xi32, #tpu.memory_space<vmem>> -> memref<40xi32, #tpu.memory_space<vmem>>
          %dma_wait3A_234 = arith.constant 0 : i32
          %dma_wait3A_235 = arith.constant 0 : i32
          %dma_wait3A_236 = tpu.memref_slice %arg10[%dma_wait3A_234, %dma_wait3A_235] : memref<10240x128xf32, #tpu.memory_space<vmem_shared>> -> memref<10240x128xf32, #tpu.memory_space<vmem_shared>>
          tpu.wait_indirect_dma semaphore(%arg12 : memref<!tpu.dma_semaphore, #tpu.memory_space<semaphore_mem>>) src(%dma_wait3A_230 : memref<40x128xf32, #tpu.memory_space<vmem>>) dst(%dma_wait3A_236 : memref<10240x128xf32, #tpu.memory_space<vmem_shared>>)
        } else {
        }
        %add3A_182 = arith.constant 4 : i32
        %add3A_183 = arith.addi %scan3A_123, %add3A_182 : i32
        %jit3A_184 = arith.constant 7 : i32
        %eq3A_185 = arith.constant 0 : i32
        %eq3A_186 = arith.cmpi eq, %jit3A_184, %eq3A_185 : i32
        %jit3A_187 = arith.constant 1 : i32
        %select_n3A_188 = arith.select %eq3A_186, %jit3A_187, %jit3A_184 : i32
        %rem3A_189 = arith.remsi %add3A_183, %select_n3A_188 : i32
        %ne3A_190 = arith.constant 0 : i32
        %ne3A_191 = arith.cmpi ne, %rem3A_189, %ne3A_190 : i32
        %lt3A_192 = arith.constant 0 : i32
        %lt3A_193 = arith.cmpi slt, %rem3A_189, %lt3A_192 : i32
        %lt3A_194 = arith.constant 0 : i32
        %lt3A_195 = arith.cmpi slt, %select_n3A_188, %lt3A_194 : i32
        %ne3A_196 = arith.xori %lt3A_193, %lt3A_195 : i1
        %and3A_197 = arith.andi %ne3A_196, %ne3A_191 : i1
        %add3A_198 = arith.addi %rem3A_189, %select_n3A_188 : i32
        %select_n3A_199 = arith.select %and3A_197, %add3A_198, %rem3A_189 : i32
        %mul3A_200 = arith.constant 40 : i32
        %mul3A_201 = arith.muli %select_n3A_199, %mul3A_200 : i32
        %dma_start3A_202 = arith.constant 0 : i32
        %dma_start3A_203 = tpu.memref_slice %arg9[%mul3A_201, %dma_start3A_202] : memref<280x128xf32, #tpu.memory_space<vmem>> -> memref<40x128xf32, #tpu.memory_space<vmem>>
        %dma_start3A_204 = arith.constant 0 : i32
        %dma_start3A_205 = tpu.memref_slice %arg7[%add3A_183, %dma_start3A_204] : memref<125x40xi32, #tpu.memory_space<vmem>> -> memref<1x40xi32, #tpu.memory_space<vmem>>
        %dma_start3A_206 = tpu.memref_squeeze %dma_start3A_205 : memref<1x40xi32, #tpu.memory_space<vmem>> -> memref<40xi32, #tpu.memory_space<vmem>>
        %dma_start3A_207 = arith.constant 0 : i32
        %dma_start3A_208 = arith.constant 0 : i32
        %dma_start3A_209 = tpu.memref_slice %arg4[%dma_start3A_207, %dma_start3A_208] : memref<10240x128xf32, #tpu.memory_space<hbm>> -> memref<10240x128xf32, #tpu.memory_space<hbm>>
        tpu.enqueue_indirect_dma source(%dma_start3A_209 : memref<10240x128xf32, #tpu.memory_space<hbm>>) target(%dma_start3A_203 : memref<40x128xf32, #tpu.memory_space<vmem>>) offsets(%dma_start3A_206 : memref<40xi32, #tpu.memory_space<vmem>>) semaphore(%arg11 : memref<!tpu.dma_semaphore, #tpu.memory_space<semaphore_mem>>)
      } else {
      }
    }
    %scan3A_52 = arith.constant 125 : i32
    %dma_wait3A = arith.constant 118 : i32
    %dma_wait3A_53 = arith.constant 240 : i32
    %dma_wait3A_54 = arith.constant 0 : i32
    %dma_wait3A_55 = tpu.memref_slice %arg9[%dma_wait3A_53, %dma_wait3A_54] : memref<280x128xf32, #tpu.memory_space<vmem>> -> memref<40x128xf32, #tpu.memory_space<vmem>>
    %dma_wait3A_56 = arith.constant 0 : i32
    %dma_wait3A_57 = tpu.memref_slice %arg8[%dma_wait3A, %dma_wait3A_56] : memref<125x40xi32, #tpu.memory_space<vmem>> -> memref<1x40xi32, #tpu.memory_space<vmem>>
    %dma_wait3A_58 = tpu.memref_squeeze %dma_wait3A_57 : memref<1x40xi32, #tpu.memory_space<vmem>> -> memref<40xi32, #tpu.memory_space<vmem>>
    %dma_wait3A_59 = arith.constant 0 : i32
    %dma_wait3A_60 = arith.constant 0 : i32
    %dma_wait3A_61 = tpu.memref_slice %arg10[%dma_wait3A_59, %dma_wait3A_60] : memref<10240x128xf32, #tpu.memory_space<vmem_shared>> -> memref<10240x128xf32, #tpu.memory_space<vmem_shared>>
    tpu.wait_indirect_dma semaphore(%arg12 : memref<!tpu.dma_semaphore, #tpu.memory_space<semaphore_mem>>) src(%dma_wait3A_55 : memref<40x128xf32, #tpu.memory_space<vmem>>) dst(%dma_wait3A_61 : memref<10240x128xf32, #tpu.memory_space<vmem_shared>>)
    %dma_wait3A_62 = arith.constant 119 : i32
    %dma_wait3A_63 = arith.constant 0 : i32
    %dma_wait3A_64 = arith.constant 0 : i32
    %dma_wait3A_65 = tpu.memref_slice %arg9[%dma_wait3A_63, %dma_wait3A_64] : memref<280x128xf32, #tpu.memory_space<vmem>> -> memref<40x128xf32, #tpu.memory_space<vmem>>
    %dma_wait3A_66 = arith.constant 0 : i32
    %dma_wait3A_67 = tpu.memref_slice %arg8[%dma_wait3A_62, %dma_wait3A_66] : memref<125x40xi32, #tpu.memory_space<vmem>> -> memref<1x40xi32, #tpu.memory_space<vmem>>
    %dma_wait3A_68 = tpu.memref_squeeze %dma_wait3A_67 : memref<1x40xi32, #tpu.memory_space<vmem>> -> memref<40xi32, #tpu.memory_space<vmem>>
    %dma_wait3A_69 = arith.constant 0 : i32
    %dma_wait3A_70 = arith.constant 0 : i32
    %dma_wait3A_71 = tpu.memref_slice %arg10[%dma_wait3A_69, %dma_wait3A_70] : memref<10240x128xf32, #tpu.memory_space<vmem_shared>> -> memref<10240x128xf32, #tpu.memory_space<vmem_shared>>
    tpu.wait_indirect_dma semaphore(%arg12 : memref<!tpu.dma_semaphore, #tpu.memory_space<semaphore_mem>>) src(%dma_wait3A_65 : memref<40x128xf32, #tpu.memory_space<vmem>>) dst(%dma_wait3A_71 : memref<10240x128xf32, #tpu.memory_space<vmem_shared>>)
    %dma_wait3A_72 = arith.constant 120 : i32
    %dma_wait3A_73 = arith.constant 40 : i32
    %dma_wait3A_74 = arith.constant 0 : i32
    %dma_wait3A_75 = tpu.memref_slice %arg9[%dma_wait3A_73, %dma_wait3A_74] : memref<280x128xf32, #tpu.memory_space<vmem>> -> memref<40x128xf32, #tpu.memory_space<vmem>>
    %dma_wait3A_76 = arith.constant 0 : i32
    %dma_wait3A_77 = tpu.memref_slice %arg8[%dma_wait3A_72, %dma_wait3A_76] : memref<125x40xi32, #tpu.memory_space<vmem>> -> memref<1x40xi32, #tpu.memory_space<vmem>>
    %dma_wait3A_78 = tpu.memref_squeeze %dma_wait3A_77 : memref<1x40xi32, #tpu.memory_space<vmem>> -> memref<40xi32, #tpu.memory_space<vmem>>
    %dma_wait3A_79 = arith.constant 0 : i32
    %dma_wait3A_80 = arith.constant 0 : i32
    %dma_wait3A_81 = tpu.memref_slice %arg10[%dma_wait3A_79, %dma_wait3A_80] : memref<10240x128xf32, #tpu.memory_space<vmem_shared>> -> memref<10240x128xf32, #tpu.memory_space<vmem_shared>>
    tpu.wait_indirect_dma semaphore(%arg12 : memref<!tpu.dma_semaphore, #tpu.memory_space<semaphore_mem>>) src(%dma_wait3A_75 : memref<40x128xf32, #tpu.memory_space<vmem>>) dst(%dma_wait3A_81 : memref<10240x128xf32, #tpu.memory_space<vmem_shared>>)
    %dma_wait3A_82 = arith.constant 121 : i32
    %dma_wait3A_83 = arith.constant 80 : i32
    %dma_wait3A_84 = arith.constant 0 : i32
    %dma_wait3A_85 = tpu.memref_slice %arg9[%dma_wait3A_83, %dma_wait3A_84] : memref<280x128xf32, #tpu.memory_space<vmem>> -> memref<40x128xf32, #tpu.memory_space<vmem>>
    %dma_wait3A_86 = arith.constant 0 : i32
    %dma_wait3A_87 = tpu.memref_slice %arg8[%dma_wait3A_82, %dma_wait3A_86] : memref<125x40xi32, #tpu.memory_space<vmem>> -> memref<1x40xi32, #tpu.memory_space<vmem>>
    %dma_wait3A_88 = tpu.memref_squeeze %dma_wait3A_87 : memref<1x40xi32, #tpu.memory_space<vmem>> -> memref<40xi32, #tpu.memory_space<vmem>>
    %dma_wait3A_89 = arith.constant 0 : i32
    %dma_wait3A_90 = arith.constant 0 : i32
    %dma_wait3A_91 = tpu.memref_slice %arg10[%dma_wait3A_89, %dma_wait3A_90] : memref<10240x128xf32, #tpu.memory_space<vmem_shared>> -> memref<10240x128xf32, #tpu.memory_space<vmem_shared>>
    tpu.wait_indirect_dma semaphore(%arg12 : memref<!tpu.dma_semaphore, #tpu.memory_space<semaphore_mem>>) src(%dma_wait3A_85 : memref<40x128xf32, #tpu.memory_space<vmem>>) dst(%dma_wait3A_91 : memref<10240x128xf32, #tpu.memory_space<vmem_shared>>)
    %dma_wait3A_92 = arith.constant 122 : i32
    %dma_wait3A_93 = arith.constant 120 : i32
    %dma_wait3A_94 = arith.constant 0 : i32
    %dma_wait3A_95 = tpu.memref_slice %arg9[%dma_wait3A_93, %dma_wait3A_94] : memref<280x128xf32, #tpu.memory_space<vmem>> -> memref<40x128xf32, #tpu.memory_space<vmem>>
    %dma_wait3A_96 = arith.constant 0 : i32
    %dma_wait3A_97 = tpu.memref_slice %arg8[%dma_wait3A_92, %dma_wait3A_96] : memref<125x40xi32, #tpu.memory_space<vmem>> -> memref<1x40xi32, #tpu.memory_space<vmem>>
    %dma_wait3A_98 = tpu.memref_squeeze %dma_wait3A_97 : memref<1x40xi32, #tpu.memory_space<vmem>> -> memref<40xi32, #tpu.memory_space<vmem>>
    %dma_wait3A_99 = arith.constant 0 : i32
    %dma_wait3A_100 = arith.constant 0 : i32
    %dma_wait3A_101 = tpu.memref_slice %arg10[%dma_wait3A_99, %dma_wait3A_100] : memref<10240x128xf32, #tpu.memory_space<vmem_shared>> -> memref<10240x128xf32, #tpu.memory_space<vmem_shared>>
    tpu.wait_indirect_dma semaphore(%arg12 : memref<!tpu.dma_semaphore, #tpu.memory_space<semaphore_mem>>) src(%dma_wait3A_95 : memref<40x128xf32, #tpu.memory_space<vmem>>) dst(%dma_wait3A_101 : memref<10240x128xf32, #tpu.memory_space<vmem_shared>>)
    %dma_wait3A_102 = arith.constant 123 : i32
    %dma_wait3A_103 = arith.constant 160 : i32
    %dma_wait3A_104 = arith.constant 0 : i32
    %dma_wait3A_105 = tpu.memref_slice %arg9[%dma_wait3A_103, %dma_wait3A_104] : memref<280x128xf32, #tpu.memory_space<vmem>> -> memref<40x128xf32, #tpu.memory_space<vmem>>
    %dma_wait3A_106 = arith.constant 0 : i32
    %dma_wait3A_107 = tpu.memref_slice %arg8[%dma_wait3A_102, %dma_wait3A_106] : memref<125x40xi32, #tpu.memory_space<vmem>> -> memref<1x40xi32, #tpu.memory_space<vmem>>
    %dma_wait3A_108 = tpu.memref_squeeze %dma_wait3A_107 : memref<1x40xi32, #tpu.memory_space<vmem>> -> memref<40xi32, #tpu.memory_space<vmem>>
    %dma_wait3A_109 = arith.constant 0 : i32
    %dma_wait3A_110 = arith.constant 0 : i32
    %dma_wait3A_111 = tpu.memref_slice %arg10[%dma_wait3A_109, %dma_wait3A_110] : memref<10240x128xf32, #tpu.memory_space<vmem_shared>> -> memref<10240x128xf32, #tpu.memory_space<vmem_shared>>
    tpu.wait_indirect_dma semaphore(%arg12 : memref<!tpu.dma_semaphore, #tpu.memory_space<semaphore_mem>>) src(%dma_wait3A_105 : memref<40x128xf32, #tpu.memory_space<vmem>>) dst(%dma_wait3A_111 : memref<10240x128xf32, #tpu.memory_space<vmem_shared>>)
    %dma_wait3A_112 = arith.constant 124 : i32
    %dma_wait3A_113 = arith.constant 200 : i32
    %dma_wait3A_114 = arith.constant 0 : i32
    %dma_wait3A_115 = tpu.memref_slice %arg9[%dma_wait3A_113, %dma_wait3A_114] : memref<280x128xf32, #tpu.memory_space<vmem>> -> memref<40x128xf32, #tpu.memory_space<vmem>>
    %dma_wait3A_116 = arith.constant 0 : i32
    %dma_wait3A_117 = tpu.memref_slice %arg8[%dma_wait3A_112, %dma_wait3A_116] : memref<125x40xi32, #tpu.memory_space<vmem>> -> memref<1x40xi32, #tpu.memory_space<vmem>>
    %dma_wait3A_118 = tpu.memref_squeeze %dma_wait3A_117 : memref<1x40xi32, #tpu.memory_space<vmem>> -> memref<40xi32, #tpu.memory_space<vmem>>
    %dma_wait3A_119 = arith.constant 0 : i32
    %dma_wait3A_120 = arith.constant 0 : i32
    %dma_wait3A_121 = tpu.memref_slice %arg10[%dma_wait3A_119, %dma_wait3A_120] : memref<10240x128xf32, #tpu.memory_space<vmem_shared>> -> memref<10240x128xf32, #tpu.memory_space<vmem_shared>>
    tpu.wait_indirect_dma semaphore(%arg12 : memref<!tpu.dma_semaphore, #tpu.memory_space<semaphore_mem>>) src(%dma_wait3A_115 : memref<40x128xf32, #tpu.memory_space<vmem>>) dst(%dma_wait3A_121 : memref<10240x128xf32, #tpu.memory_space<vmem_shared>>)
    %barrier3A_122 = arith.constant 0 : index
    tpu.barrier barrier_id(%barrier3A_122)
    "tpu.region"() ({
      %run_scoped3A = tpu.sem_alloc : memref<!tpu.dma_semaphore, #tpu.memory_space<semaphore_mem>>
      %dma_start3A_123 = arith.constant 0 : i32
      %dma_start3A_124 = arith.constant 0 : i32
      %dma_start3A_125 = tpu.memref_slice %arg6[%arg0, %dma_start3A_123, %dma_start3A_124] : memref<2x10240x128xf32, #tpu.memory_space<hbm>> -> memref<1x10240x128xf32, #tpu.memory_space<hbm>>
      %dma_start3A_126 = tpu.memref_squeeze %dma_start3A_125 : memref<1x10240x128xf32, #tpu.memory_space<hbm>> -> memref<10240x128xf32, #tpu.memory_space<hbm>>
      %dma_start3A_127 = arith.constant 0 : i32
      %dma_start3A_128 = tpu.memref_slice %dma_start3A_126[%mul3A_2, %dma_start3A_127] : memref<10240x128xf32, #tpu.memory_space<hbm>> -> memref<640x128xf32, #tpu.memory_space<hbm>>
      %dma_start3A_129 = arith.constant 0 : i32
      %dma_start3A_130 = tpu.memref_slice %arg10[%mul3A_2, %dma_start3A_129] : memref<10240x128xf32, #tpu.memory_space<vmem_shared>> -> memref<640x128xf32, #tpu.memory_space<vmem_shared>>
      tpu.enqueue_dma source(%dma_start3A_130 : memref<640x128xf32, #tpu.memory_space<vmem_shared>>) target(%dma_start3A_128 : memref<640x128xf32, #tpu.memory_space<hbm>>) target_semaphore(%run_scoped3A : memref<!tpu.dma_semaphore, #tpu.memory_space<semaphore_mem>>)
      %dma_wait3A_131 = arith.constant 0 : i32
      %dma_wait3A_132 = arith.constant 0 : i32
      %dma_wait3A_133 = tpu.memref_slice %arg6[%arg0, %dma_wait3A_131, %dma_wait3A_132] : memref<2x10240x128xf32, #tpu.memory_space<hbm>> -> memref<1x10240x128xf32, #tpu.memory_space<hbm>>
      %dma_wait3A_134 = tpu.memref_squeeze %dma_wait3A_133 : memref<1x10240x128xf32, #tpu.memory_space<hbm>> -> memref<10240x128xf32, #tpu.memory_space<hbm>>
      %dma_wait3A_135 = arith.constant 0 : i32
      %dma_wait3A_136 = tpu.memref_slice %dma_wait3A_134[%mul3A_2, %dma_wait3A_135] : memref<10240x128xf32, #tpu.memory_space<hbm>> -> memref<640x128xf32, #tpu.memory_space<hbm>>
      %dma_wait3A_137 = arith.constant 0 : i32
      %dma_wait3A_138 = tpu.memref_slice %arg10[%mul3A_2, %dma_wait3A_137] : memref<10240x128xf32, #tpu.memory_space<vmem_shared>> -> memref<640x128xf32, #tpu.memory_space<vmem_shared>>
      tpu.wait_dma2 semaphore(%run_scoped3A : memref<!tpu.dma_semaphore, #tpu.memory_space<semaphore_mem>>) src(%dma_wait3A_138 : memref<640x128xf32, #tpu.memory_space<vmem_shared>>) dst(%dma_wait3A_136 : memref<640x128xf32, #tpu.memory_space<hbm>>)
      tpu.yield
    }) : () -> ()
    return
  }
}

module attributes {stable_mosaic.version = 14 : i64} {
  func.func @_prescale_body(%arg0: i32, %arg1: memref<640x2xf32, #tpu.memory_space<vmem>>, %arg2: memref<640x128xf32, #tpu.memory_space<vmem>>, %arg3: memref<640x128xf32, #tpu.memory_space<vmem>>, %arg4: memref<640x1xf32, #tpu.memory_space<vmem>>) attributes {dimension_semantics = [#tpu.dimension_semantics<arbitrary>], iteration_bounds = array<i64: 16>, scalar_prefetch = 0 : i64, scratch_operands = 0 : i64, tpu.core_type = #tpu.core_type<tc>, window_params = [{transform_indices = @transform_0, window_bounds = array<i64: 640, 2>}, {transform_indices = @transform_1, window_bounds = array<i64: 640, 128>}, {transform_indices = @transform_2, window_bounds = array<i64: 640, 128>}, {transform_indices = @transform_3, window_bounds = array<i64: 640, 1>}]} {
    %get3A = arith.constant 0 : index
    %get3A_0 = arith.constant 0 : index
    %get3A_1 = vector.load %arg1[%get3A, %get3A_0] : memref<640x2xf32, #tpu.memory_space<vmem>>, vector<640x1xf32>
    %get3A_2 = arith.constant 0 : index
    %get3A_3 = arith.constant 1 : index
    %get3A_4 = vector.load %arg1[%get3A_2, %get3A_3] : memref<640x2xf32, #tpu.memory_space<vmem>>, vector<640x1xf32>
    %add3A = arith.addf %get3A_1, %get3A_4 : vector<640x1xf32>
    %add3A_5 = arith.constant 1.000000e+00 : f32
    %add3A_6 = vector.broadcast %add3A_5 : f32 to vector<640x1xf32>
    %add3A_7 = arith.addf %add3A, %add3A_6 : vector<640x1xf32>
    %rsqrt3A = math.rsqrt %add3A_7 : vector<640x1xf32>
    %swap3A = arith.constant 0 : index
    %swap3A_8 = arith.constant 0 : index
    %swap3A_9 = vector.load %arg4[%swap3A, %swap3A_8] : memref<640x1xf32, #tpu.memory_space<vmem>>, vector<640x1xf32>
    tpu.vector_store %arg4[%swap3A, %swap3A_8], %rsqrt3A {strides = array<i32>} : memref<640x1xf32, #tpu.memory_space<vmem>>, vector<640x1xf32>,
    %get3A_10 = arith.constant 0 : index
    %get3A_11 = arith.constant 0 : index
    %get3A_12 = vector.load %arg2[%get3A_10, %get3A_11] : memref<640x128xf32, #tpu.memory_space<vmem>>, vector<640x128xf32>
    %mul3A = vector.broadcast %rsqrt3A : vector<640x1xf32> to vector<640x128xf32>
    %mul3A_13 = arith.mulf %get3A_12, %mul3A : vector<640x128xf32>
    %swap3A_14 = arith.constant 0 : index
    %swap3A_15 = arith.constant 0 : index
    %swap3A_16 = vector.load %arg3[%swap3A_14, %swap3A_15] : memref<640x128xf32, #tpu.memory_space<vmem>>, vector<640x128xf32>
    tpu.vector_store %arg3[%swap3A_14, %swap3A_15], %mul3A_13 {strides = array<i32>} : memref<640x128xf32, #tpu.memory_space<vmem>>, vector<640x128xf32>,
    return
  }
  func.func @transform_0(%arg0: i32) -> (i32, i32) {
    %c0_i32 = arith.constant 0 : i32
    %c0_i32_0 = arith.constant 0 : i32
    return %arg0, %c0_i32 : i32, i32
  }
  func.func @transform_1(%arg0: i32) -> (i32, i32) {
    %c0_i32 = arith.constant 0 : i32
    %c0_i32_0 = arith.constant 0 : i32
    return %arg0, %c0_i32 : i32, i32
  }
  func.func @transform_2(%arg0: i32) -> (i32, i32) {
    %c0_i32 = arith.constant 0 : i32
    %c0_i32_0 = arith.constant 0 : i32
    return %arg0, %c0_i32 : i32, i32
  }
  func.func @transform_3(%arg0: i32) -> (i32, i32) {
    %c0_i32 = arith.constant 0 : i32
    %c0_i32_0 = arith.constant 0 : i32
    return %arg0, %c0_i32 : i32, i32
  }
}

module attributes {stable_mosaic.version = 14 : i64} {
  func.func @_mm_body(%arg0: i32, %arg1: memref<2x1280x128xf32, #tpu.memory_space<vmem>>, %arg2: memref<1280x1xf32, #tpu.memory_space<vmem>>, %arg3: memref<128x2048xf32, #tpu.memory_space<vmem>>, %arg4: memref<1x2048xf32, #tpu.memory_space<vmem>>, %arg5: memref<2048x40xf32, #tpu.memory_space<vmem>>, %arg6: memref<1280x40xf32, #tpu.memory_space<vmem>>) attributes {dimension_semantics = [#tpu.dimension_semantics<arbitrary>], iteration_bounds = array<i64: 8>, scalar_prefetch = 0 : i64, scratch_operands = 0 : i64, tpu.core_type = #tpu.core_type<tc>, window_params = [{transform_indices = @transform_0, window_bounds = array<i64: 2, 1280, 128>}, {transform_indices = @transform_1, window_bounds = array<i64: 1280, 1>}, {pipeline_mode = #tpu.pipeline_mode<synchronous>, transform_indices = @transform_2, window_bounds = array<i64: 128, 2048>}, {pipeline_mode = #tpu.pipeline_mode<synchronous>, transform_indices = @transform_3, window_bounds = array<i64: 1, 2048>}, {pipeline_mode = #tpu.pipeline_mode<synchronous>, transform_indices = @transform_4, window_bounds = array<i64: 2048, 40>}, {transform_indices = @transform_5, window_bounds = array<i64: 1280, 40>}]} {
    %get3A = arith.constant 0 : index
    %get3A_0 = arith.constant 0 : index
    %get3A_1 = vector.load %arg2[%get3A, %get3A_0] : memref<1280x1xf32, #tpu.memory_space<vmem>>, vector<1280x1xf32>
    %get3A_2 = arith.constant 0 : index
    %get3A_3 = arith.constant 0 : index
    %get3A_4 = arith.constant 0 : index
    %get3A_5 = vector.load %arg1[%get3A_2, %get3A_3, %get3A_4] : memref<2x1280x128xf32, #tpu.memory_space<vmem>>, vector<1x1280x128xf32>
    %get3A_6 = vector.shape_cast %get3A_5 : vector<1x1280x128xf32> to vector<1280x128xf32>
    %get3A_7 = arith.constant 1 : index
    %get3A_8 = arith.constant 0 : index
    %get3A_9 = arith.constant 0 : index
    %get3A_10 = vector.load %arg1[%get3A_7, %get3A_8, %get3A_9] : memref<2x1280x128xf32, #tpu.memory_space<vmem>>, vector<1x1280x128xf32>
    %get3A_11 = vector.shape_cast %get3A_10 : vector<1x1280x128xf32> to vector<1280x128xf32>
    %add3A = arith.addf %get3A_6, %get3A_11 : vector<1280x128xf32>
    %mul3A = vector.broadcast %get3A_1 : vector<1280x1xf32> to vector<1280x128xf32>
    %mul3A_12 = arith.mulf %add3A, %mul3A : vector<1280x128xf32>
    %convert_element_type3A = arith.truncf %mul3A_12 : vector<1280x128xf32> to vector<1280x128xbf16>
    %get3A_13 = arith.constant 0 : index
    %get3A_14 = arith.constant 0 : index
    %get3A_15 = vector.load %arg3[%get3A_13, %get3A_14] : memref<128x2048xf32, #tpu.memory_space<vmem>>, vector<128x2048xf32>
    %convert_element_type3A_16 = arith.truncf %get3A_15 : vector<128x2048xf32> to vector<128x2048xbf16>
    %dot_general3A = arith.constant dense<0.000000e+00> : vector<1280x2048xf32>
    %dot_general3A_17 = tpu.matmul %convert_element_type3A, %convert_element_type3A_16, %dot_general3A {dimension_numbers = #tpu.dot_dimension_numbers<[1], [0], [0], [1], [0, 0, 1, 1], [], []>, transpose_lhs_hint = false} : vector<1280x128xbf16>, vector<128x2048xbf16>, vector<1280x2048xf32> -> vector<1280x2048xf32>
    %get3A_18 = arith.constant 0 : index
    %get3A_19 = arith.constant 0 : index
    %get3A_20 = vector.load %arg4[%get3A_18, %get3A_19] : memref<1x2048xf32, #tpu.memory_space<vmem>>, vector<1x2048xf32>
    %add3A_21 = vector.broadcast %get3A_20 : vector<1x2048xf32> to vector<1280x2048xf32>
    %add3A_22 = arith.addf %dot_general3A_17, %add3A_21 : vector<1280x2048xf32>
    %max3A = arith.constant 0.000000e+00 : f32
    %max3A_23 = vector.broadcast %max3A : f32 to vector<1280x2048xf32>
    %max3A_24 = arith.maximumf %add3A_22, %max3A_23 : vector<1280x2048xf32>
    %convert_element_type3A_25 = arith.truncf %max3A_24 : vector<1280x2048xf32> to vector<1280x2048xbf16>
    %get3A_26 = arith.constant 0 : index
    %get3A_27 = arith.constant 0 : index
    %get3A_28 = vector.load %arg5[%get3A_26, %get3A_27] : memref<2048x40xf32, #tpu.memory_space<vmem>>, vector<2048x40xf32>
    %convert_element_type3A_29 = arith.truncf %get3A_28 : vector<2048x40xf32> to vector<2048x40xbf16>
    %dot_general3A_30 = arith.constant dense<0.000000e+00> : vector<1280x40xf32>
    %dot_general3A_31 = tpu.matmul %convert_element_type3A_25, %convert_element_type3A_29, %dot_general3A_30 {dimension_numbers = #tpu.dot_dimension_numbers<[1], [0], [0], [1], [0, 0, 1, 1], [], []>, transpose_lhs_hint = false} : vector<1280x2048xbf16>, vector<2048x40xbf16>, vector<1280x40xf32> -> vector<1280x40xf32>
    %mul3A_32 = vector.broadcast %get3A_1 : vector<1280x1xf32> to vector<1280x40xf32>
    %mul3A_33 = arith.mulf %dot_general3A_31, %mul3A_32 : vector<1280x40xf32>
    %swap3A = arith.constant 0 : index
    %swap3A_34 = arith.constant 0 : index
    %swap3A_35 = vector.load %arg6[%swap3A, %swap3A_34] : memref<1280x40xf32, #tpu.memory_space<vmem>>, vector<1280x40xf32>
    tpu.vector_store %arg6[%swap3A, %swap3A_34], %mul3A_33 {strides = array<i32>} : memref<1280x40xf32, #tpu.memory_space<vmem>>, vector<1280x40xf32>,
    return
  }
  func.func @transform_0(%arg0: i32) -> (i32, i32, i32) {
    %c0_i32 = arith.constant 0 : i32
    %c0_i32_0 = arith.constant 0 : i32
    %c0_i32_1 = arith.constant 0 : i32
    return %c0_i32, %arg0, %c0_i32_0 : i32, i32, i32
  }
  func.func @transform_1(%arg0: i32) -> (i32, i32) {
    %c0_i32 = arith.constant 0 : i32
    %c0_i32_0 = arith.constant 0 : i32
    return %arg0, %c0_i32 : i32, i32
  }
  func.func @transform_2(%arg0: i32) -> (i32, i32) {
    %c0_i32 = arith.constant 0 : i32
    %c0_i32_0 = arith.constant 0 : i32
    %c0_i32_1 = arith.constant 0 : i32
    return %c0_i32, %c0_i32_0 : i32, i32
  }
  func.func @transform_3(%arg0: i32) -> (i32, i32) {
    %c0_i32 = arith.constant 0 : i32
    %c0_i32_0 = arith.constant 0 : i32
    %c0_i32_1 = arith.constant 0 : i32
    return %c0_i32, %c0_i32_0 : i32, i32
  }
  func.func @transform_4(%arg0: i32) -> (i32, i32) {
    %c0_i32 = arith.constant 0 : i32
    %c0_i32_0 = arith.constant 0 : i32
    %c0_i32_1 = arith.constant 0 : i32
    return %c0_i32, %c0_i32_0 : i32, i32
  }
  func.func @transform_5(%arg0: i32) -> (i32, i32) {
    %c0_i32 = arith.constant 0 : i32
    %c0_i32_0 = arith.constant 0 : i32
    return %arg0, %c0_i32 : i32, i32
  }
}

module attributes {stable_mosaic.version = 14 : i64} {
  func.func @_final_body(%arg0: i32, %arg1: memref<2x640x40xf32, #tpu.memory_space<vmem>>, %arg2: memref<640x1xf32, #tpu.memory_space<vmem>>, %arg3: memref<1x40xf32, #tpu.memory_space<vmem>>, %arg4: memref<640x40xf32, #tpu.memory_space<vmem>>) attributes {dimension_semantics = [#tpu.dimension_semantics<arbitrary>], iteration_bounds = array<i64: 16>, scalar_prefetch = 0 : i64, scratch_operands = 0 : i64, tpu.core_type = #tpu.core_type<tc>, window_params = [{transform_indices = @transform_0, window_bounds = array<i64: 2, 640, 40>}, {transform_indices = @transform_1, window_bounds = array<i64: 640, 1>}, {pipeline_mode = #tpu.pipeline_mode<synchronous>, transform_indices = @transform_2, window_bounds = array<i64: 1, 40>}, {transform_indices = @transform_3, window_bounds = array<i64: 640, 40>}]} {
    %get3A = arith.constant 0 : index
    %get3A_0 = arith.constant 0 : index
    %get3A_1 = arith.constant 0 : index
    %get3A_2 = vector.load %arg1[%get3A, %get3A_0, %get3A_1] : memref<2x640x40xf32, #tpu.memory_space<vmem>>, vector<1x640x40xf32>
    %get3A_3 = vector.shape_cast %get3A_2 : vector<1x640x40xf32> to vector<640x40xf32>
    %get3A_4 = arith.constant 1 : index
    %get3A_5 = arith.constant 0 : index
    %get3A_6 = arith.constant 0 : index
    %get3A_7 = vector.load %arg1[%get3A_4, %get3A_5, %get3A_6] : memref<2x640x40xf32, #tpu.memory_space<vmem>>, vector<1x640x40xf32>
    %get3A_8 = vector.shape_cast %get3A_7 : vector<1x640x40xf32> to vector<640x40xf32>
    %add3A = arith.addf %get3A_3, %get3A_8 : vector<640x40xf32>
    %get3A_9 = arith.constant 0 : index
    %get3A_10 = arith.constant 0 : index
    %get3A_11 = vector.load %arg2[%get3A_9, %get3A_10] : memref<640x1xf32, #tpu.memory_space<vmem>>, vector<640x1xf32>
    %mul3A = vector.broadcast %get3A_11 : vector<640x1xf32> to vector<640x40xf32>
    %mul3A_12 = arith.mulf %add3A, %mul3A : vector<640x40xf32>
    %get3A_13 = arith.constant 0 : index
    %get3A_14 = arith.constant 0 : index
    %get3A_15 = vector.load %arg3[%get3A_13, %get3A_14] : memref<1x40xf32, #tpu.memory_space<vmem>>, vector<1x40xf32>
    %add3A_16 = vector.broadcast %get3A_15 : vector<1x40xf32> to vector<640x40xf32>
    %add3A_17 = arith.addf %mul3A_12, %add3A_16 : vector<640x40xf32>
    %swap3A = arith.constant 0 : index
    %swap3A_18 = arith.constant 0 : index
    %swap3A_19 = vector.load %arg4[%swap3A, %swap3A_18] : memref<640x40xf32, #tpu.memory_space<vmem>>, vector<640x40xf32>
    tpu.vector_store %arg4[%swap3A, %swap3A_18], %add3A_17 {strides = array<i32>} : memref<640x40xf32, #tpu.memory_space<vmem>>, vector<640x40xf32>,
    return
  }
  func.func @transform_0(%arg0: i32) -> (i32, i32, i32) {
    %c0_i32 = arith.constant 0 : i32
    %c0_i32_0 = arith.constant 0 : i32
    %c0_i32_1 = arith.constant 0 : i32
    return %c0_i32, %arg0, %c0_i32_0 : i32, i32, i32
  }
  func.func @transform_1(%arg0: i32) -> (i32, i32) {
    %c0_i32 = arith.constant 0 : i32
    %c0_i32_0 = arith.constant 0 : i32
    return %arg0, %c0_i32 : i32, i32
  }
  func.func @transform_2(%arg0: i32) -> (i32, i32) {
    %c0_i32 = arith.constant 0 : i32
    %c0_i32_0 = arith.constant 0 : i32
    %c0_i32_1 = arith.constant 0 : i32
    return %c0_i32, %c0_i32_0 : i32, i32
  }
  func.func @transform_3(%arg0: i32) -> (i32, i32) {
    %c0_i32 = arith.constant 0 : i32
    %c0_i32_0 = arith.constant 0 : i32
    return %arg0, %c0_i32 : i32, i32
  }
}

</mosaic_0001>

<sc_bundles>
// kernel: kernel.11.cloned.1.call-start
scs
__scs_entry_jumppad:
0x0: {  	(pc) =	sbr.rel $0x88, $3  }
0x1: {  	(tag) =	ssettag $0x0;
	lr =	simm.s32 $0x1  }
0x2: {  	[smem:$0x3F9B] =	sst lr;
	_ =	strace $0xD0000000  }
0x3: {  	_ = 	snop  }
0x4: {  	_ = 	snop  }
0x5: {  	_ = 	snop  }
0x6: {  	_ = 	snop  }
0x7: {  	_ = 	snop  }
__scs_overlays_trampoline_lowered:
0x8: {  	[smem:$0x3FAA] =	sst s0  }
0x9: {  	[smem:$0x3FAB] =	sst s1  }
0xa: {  	[smem:$0x3FAC] =	sst s2  }
0xb: {  	[smem:$0x3FAD] =	sst s3  }
0xc: {  	[smem:$0x3FAE] =	sst s4  }
0xd: {  	[smem:$0x3FAF] =	sst s5  }
0xe: {  	[smem:$0x3FB0] =	sst s6  }
0xf: {  	[smem:$0x3FB1] =	sst s7  }
0x10: {  	[smem:$0x3FB2] =	sst s8  }
0x11: {  	[smem:$0x3FB3] =	sst s9;
	s0 =	simm.s32 @!p0 $0x0  }
0x12: {  	s1 =	sld [smem:$0x3F99];
	s0 =	simm.s32 @p0 $0x1  }
0x13: {  	[smem:$0x3FB4] =	sst s0;
	s0 =	simm.s32 @!p1 $0x0  }
0x14: {  	s2 =	sld [smem:$0x3F98];
	s0 =	simm.s32 @p1 $0x1  }
0x15: {  	[smem:$0x3FB5] =	sst s0;
	s0 =	simm.s32 @!p2 $0x0  }
0x16: {  	s3 =	sld [smem:$0x3FDB];
	s0 =	simm.s32 @p2 $0x1  }
0x17: {  	s4 =	simm.s32 $0x1BF5;
	[smem:$0x3FB7] =	sst s0  }
0x18: {  	s0 =	sld [smem:$0x3F9A];
	_ =	swait.ge [sflag:s4], $0x0  }
0x19: {  	s7 =	sld [smem:$0x3F9B]  }
0x1a: {  	s8 =	sadd.s32 $0xFFFFE003, lr  }
0x1b: {  	s9 =	sadd.s32 $0xFFFFFEF7, lr;
	s5 =	simm.s32 $0xFFFFFFFF;
	p2 =	slt.u32 s8, $0xFFFFF086  }
0x1c: {  	p1 =	slt.u32 s9, $0xF7A;
	s5 =	simm.s32 @!p2 $0x0  }
0x1d: {  	s5 =	simm.s32 @p1 $0x1;
	p0 =	seq.s32 s7, s2  }
0x1e: {  	s7 =	smul.u32 @!p0 $0xF7A, s2;
	p2 =	seq.s32 @!p0 s5, $0x0  }
0x1f: {  	s9 =	smul.u32 $0xF7A, s1;
	s8 =	simm.s32 @!p0 $0x1BF5;
	p2 =	por !p2, p0  }
0x20: {  	[sflag:s8] =	ssyncset.s32 @!p0 $0xFFFFF086;
	s6 =	sadd.s32 @!p0 s3, s7;
	s7 =	simm.s32 @!p0 $0x108  }
0x21: {  	s3 =	sadd.s32 s3, s9;
	s6 =	sadd.s32 @!p0 $0x88, s6;
	s7 =	simm.s32 @p2 $0x1082  }
0x22: {  	[simem:s7], [sflag:s8] =	dma.local @!p0 [hbm:s6], $0xF7A  }
0x23: {  	s9 =	sor.u32 $0xD0000000, s2;
	s6 =	simm.s32 $0x108;
	_ =	swait.ge @!p0 [sflag:s8], $0x0  }
0x24: {  	s3 =	sadd.s32 $0x88, s3;
	s6 =	simm.s32 @!p1 $0x1082;
	[sflag:s4] =	ssyncset.s32 $0xFFFFF086  }
0x25: {  	[simem:s6], [sflag:s4] =	dma.local [hbm:s3], $0xF7A  }
0x26: {  	[smem:$0x3F9B] =	sst s1;
	(tag) =	ssettag s2;
	_ =	strace s9  }
0x27: {  	s1 =	sld [smem:$0x3FAB]  }
0x28: {  	s2 =	sld [smem:$0x3FAC]  }
0x29: {  	s4 =	sld [smem:$0x3FAE]  }
0x2a: {  	p0 =	seq.s32 s5, $0x0;
	s5 =	sld [smem:$0x3FAF]  }
0x2b: {  	s6 =	sld [smem:$0x3FB0]  }
0x2c: {  	s7 =	sld [smem:$0x3FB1]  }
0x2d: {  	s3 =	simm.s32 $0x108;
	s8 =	sld [smem:$0x3FB2]  }
0x2e: {  	s3 =	simm.s32 @!p0 $0x1082;
	s9 =	sld [smem:$0x3FB3]  }
0x2f: {  	lr =	sadd.s32 s0, s3;
	s0 =	sld [smem:$0x3FAA]  }
0x30: {  	s3 =	sld [smem:$0x3FAD]  }
0x31: {  	[smem:$0x3FB6] =	sst s10  }
0x32: {  	s10 =	sld [smem:$0x3FB4];
	_ =	sdelay $0x3  }
0x33: {  	p0 =	seq.s32 s10, $0x1;
	s10 =	sld [smem:$0x3FB6];
	_ =	sdelay $0x3  }
0x34: {  	[smem:$0x3FB6] =	sst s10  }
0x35: {  	s10 =	sld [smem:$0x3FB5];
	_ =	sdelay $0x3  }
0x36: {  	p1 =	seq.s32 s10, $0x1;
	s10 =	sld [smem:$0x3FB6];
	_ =	sdelay $0x3  }
0x37: {  	[smem:$0x3FB6] =	sst s10  }
0x38: {  	s10 =	sld [smem:$0x3FB7]  }
0x39: {  	_ = 	snop;
	(pc) =	sbr.ind lr, $3  }
0x3a: {  	_ = 	snop  }
0x3b: {  	_ = 	snop  }
0x3c: {  	p2 =	seq.s32 s10, $0x1;
	s10 =	sld [smem:$0x3FB6]  }
0x3d: {  	_ =	shalt  }
0x3e: {  	_ =	shalt  }
0x3f: {  	_ =	shalt  }
0x40: {  	_ =	shalt  }
0x41: {  	_ =	shalt  }
0x42: {  	_ =	shalt  }
0x43: {  	_ =	shalt  }
0x44: {  	_ =	shalt  }
0x45: {  	_ =	shalt  }
0x46: {  	_ =	shalt  }
0x47: {  	_ =	shalt  }
0x48: {  	_ =	shalt  }
0x49: {  	_ =	shalt  }
0x4a: {  	_ =	shalt  }
0x4b: {  	_ =	shalt  }
0x4c: {  	_ =	shalt  }
0x4d: {  	_ =	shalt  }
0x4e: {  	_ =	shalt  }
0x4f: {  	_ =	shalt  }
0x50: {  	_ =	shalt  }
0x51: {  	_ =	shalt  }
0x52: {  	_ =	shalt  }
0x53: {  	_ =	shalt  }
0x54: {  	_ =	shalt  }
0x55: {  	_ =	shalt  }
0x56: {  	_ =	shalt  }
0x57: {  	_ =	shalt  }
0x58: {  	_ =	shalt  }
0x59: {  	_ =	shalt  }
0x5a: {  	_ =	shalt  }
0x5b: {  	_ =	shalt  }
0x5c: {  	_ =	shalt  }
0x5d: {  	_ =	shalt  }
0x5e: {  	_ =	shalt  }
0x5f: {  	_ =	shalt  }
0x60: {  	_ =	shalt  }
0x61: {  	_ =	shalt  }
0x62: {  	_ =	shalt  }
0x63: {  	_ =	shalt  }
0x64: {  	_ =	shalt  }
0x65: {  	_ =	shalt  }
0x66: {  	_ =	shalt  }
0x67: {  	_ =	shalt  }
0x68: {  	_ =	shalt  }
0x69: {  	_ =	shalt  }
0x6a: {  	_ =	shalt  }
0x6b: {  	_ =	shalt  }
0x6c: {  	_ =	shalt  }
0x6d: {  	_ =	shalt  }
0x6e: {  	_ =	shalt  }
0x6f: {  	_ =	shalt  }
0x70: {  	_ =	shalt  }
0x71: {  	_ =	shalt  }
0x72: {  	_ =	shalt  }
0x73: {  	_ =	shalt  }
0x74: {  	_ =	shalt  }
0x75: {  	_ =	shalt  }
0x76: {  	_ =	shalt  }
0x77: {  	_ =	shalt  }
0x78: {  	_ =	shalt  }
0x79: {  	_ =	shalt  }
0x7a: {  	_ =	shalt  }
0x7b: {  	_ =	shalt  }
0x7c: {  	_ =	shalt  }
0x7d: {  	_ =	shalt  }
0x7e: {  	_ =	shalt  }
0x7f: {  	_ =	shalt  }
0x80: {  	_ =	shalt  }
0x81: {  	_ =	shalt  }
0x82: {  	_ =	shalt  }
0x83: {  	_ =	shalt  }
0x84: {  	_ =	shalt  }
0x85: {  	_ =	shalt  }
0x86: {  	_ =	shalt  }
0x87: {  	_ =	shalt  }
.Lfunc_end0:
.L_simem_size_0:
called_computation.1_lowered:
.L_overlay_start_0:
0x88: {  	s2 =	sld [smem:$0x3FD9]  }
0x89: {  	s3 =	sld [smem:$0x3FFE];
	_ =	sdelay $0x1  }
0x8a: {  	s1 =	srdreg.scid  }
0x8b: {  	s0 =	sand.u32 $0x1, s1  }
0x8c: {  	s17 =	sshll.u32 s0, $0xA;
	s2 =	sadd.s32 s3, s2  }
0x8d: {  	s2 =	sadd.s32 s2, s17  }
0x8e: {  	[smem:$0x3FC2] =	sst s2  }
0x8f: {  	_ = 	snop  }
0x90: {  	s2 =	sld [smem:$0x3FD0];
	(tm) =	ssettm $0x1  }
0x91: {  	s18 =	sld [smem:$0x3FFB];
	_ =	sdelay $0x3  }
0x92: {  	_ =	strace s18  }
0x93: {  	s3 =	sld [smem:$0x3FFC];
	_ =	sdelay $0x3  }
0x94: {  	_ =	strace s3  }
0x95: {  	s3 =	sld [smem:$0x3FFD];
	_ =	sdelay $0x3  }
0x96: {  	_ =	strace s3  }
0x97: {  	_ =	strace $0x8FFFFFFF  }
0x98: {  	s19 =	sld [smem:$0x3FDB];
	_ =	sdelay $0x1  }
0x99: {  	s4 =	simm.s32 $_scs_section_size  }
0x9a: {  	s5 =	simm.s32 $_size__tile_overlayer_lowered;
	s6 =	simm.s32 $_tile_overlayer_lowered  }
0x9b: {  	s22 =	simm.s32 $0x1BFF;
	s21 =	sshll.u32 s6, $0x1;
	s3 =	sadd.s32 s4, s19  }
0x9c: {  	s7 =	simm.s32 $0x0;
	s20 =	sshll.u32 s5, $0x1;
	s5 =	sadd.s32 s21, s3  }
0x9d: {  	[timem:s7], [sflag:s22] =	dma.local [hbm:s5], s20  }
0x9e: {  	_ =	swait.ge [sflag:s22], s20  }
0x9f: {  	s4 =	ssub.s32 $0x0, s20;
	[sflag:s22] =	ssyncset.done $0x0  }
0xa0: {  	[sflag:s22] =	ssyncadd.s32 s4;
	_ =	sdelay $0x1  }
0xa1: {  	s23 =	simm.s32 $0x1B8B  }
0xa2: {  	_ =	swait.ge [sflag:s23], $0x1  }
0xa3: {  	[sflag:s23] =	ssyncset.done $0x0  }
0xa4: {  	s25 =	simm.s32 $0x1B8E;
	s24 =	sld [smem:$0x3FFE];
	[sflag:s23] =	ssyncadd.s32 $0xFFFFFFFF  }
0xa5: {  	s26 =	simm.s32 $execute0_lowered;
	[smem:$0x3FD2] =	sst s25  }
0xa6: {  	s5 =	sshll.u32 s26, $0x1;
	_ =	strace $0x80000049;
	[dreg:$0x1] =	wrdreg $0xFFFFFFFF  }
0xa7: {  	s28 =	simm.s32 $_size_execute0_lowered;
	s3 =	sadd.s32 s3, s5;
	[dreg:$0x0] =	wrdreg $0x0  }
0xa8: {  	s5 =	sshll.u32 s28, $0x1;
	[dreg:$0x2] =	wrdreg s3  }
0xa9: {  	[dreg:$0x3] =	wrdreg s5  }
0xaa: {  	[dreg:$0x4] =	wrdreg $0xC0  }
0xab: {  	_ =	task [dreg:s7], $0x5FFFF  }
0xac: {  	[dreg:$0x1] =	wrdreg $0xFFFFFFFF  }
0xad: {  	[dreg:$0x0] =	wrdreg $0x60  }
0xae: {  	[dreg:$0x2] =	wrdreg s24  }
0xaf: {  	[dreg:$0x3] =	wrdreg s2  }
0xb0: {  	[dreg:$0x4] =	wrdreg $0xB3100  }
0xb1: {  	[dreg:$0x5] =	wrdreg $0x9  }
0xb2: {  	_ =	task.clear_ibuf [dreg:s7], $0x6FFFF;
	_ =	strace $0x90000049  }
0xb3: {  	s29 =	simm.s32 $0x9;
	_ =	strace $0x8000004B  }
0xb4: {  	_ =	swait.ge [sflag:s29], $0x1  }
0xb5: {  	[sflag:s29] =	ssyncadd.s32 $0xFFFFFFFF  }
0xb6: {  	_ =	strace $0x9000004B  }
0xb7: {  	_ =	sfence  }
0xb8: {  	s30 =	sld [smem:$0x0];
	_ =	sdelay $0x2  }
0xb9: {  	s31 =	sshll.u32 s1, $0xD;
	s1 =	sshrl.u32 s1, $0x2  }
0xba: {  	s3 =	sand.u32 $0x4000, s31;
	s1 =	sadd.s32 s1, s30  }
0xbb: {  	s0 =	sor.u32 s3, s0;
	s1 =	sshll.u32 s1, $0x11  }
0xbc: {  	s0 =	sor.u32 s1, s0  }
0xbd: {  	s0 =	sadd.s32 $0x8F2B, s0  }
0xbe: {  	[sflag:s0] =	ssyncadd.remote.s32 $0x1  }
0xbf: {  	_ =	sfence.sel $0xFFFF  }
0xc0: {  	[dreg:$0x0] =	wrdreg $0xFFFFFFFF;
	(pc) =	sbr.abs _section_cstart, $3  }
0xc1: {  	[dreg:$0x1] =	wrdreg $0xFFFFFFFF  }
0xc2: {  	_ =	task.clear_ibuf [dreg:s7], $0x2FFFF;
	_ =	strace $0x9FFFFFFF  }
0xc3: {  	(tm) =	ssettm $0x7FFFFFFF  }
tec
execute0_lowered:
.L_overlay_start_1:
0x0: {  	(tag) =	ssettag $0x1  }
0x1: {  	s0 =	rddreg [dreg:$0x0]  }
0x2: {  	s1 =	rddreg [dreg:$0x1];
	s3 =	srdreg.scid  }
0x3: {  	s14 =	stileid.u32;
	s2 =	rddreg [dreg:$0x2];
	s16 =	simm.s32 $0x4F10  }
0x4: {  	s17 =	simm.s32 $0x78;
	s18 =	simm.s32 $0x6310;
	s19 =	simm.s32 $0x1  }
0x5: {  	s20 =	simm.s32 $0x2;
	s22 =	simm.s32 $0x0;
	s5 =	sand.u32 $0x1, s3  }
0x6: {  	s4 =	sshll.u32 s14, $0x1;
	s3 =	simm.s32 $0x0;
	s11 =	smul.u32 $0x14000, s14  }
0x7: {  	s12 =	sadd.s32 $0x2E000, s0;
	s31 =	sshll.u32 s14, $0x6;
	s4 =	sor.u32 s5, s4  }
0x8: {  	[smem:$0x7FF] =	sst s3;
	s8 =	smul.u32 $0x28000, s5;
	s9 =	ssub.s32 $0x2, s5  }
0x9: {  	p0 =	seq.s32 s5, $0x0;
	s6 =	smul.u32 $0x271, s4;
	_ =	strace $0x8000004A  }
0xa: {  	s4 =	sadd.s32 $0x6000, s0;
	s10 =	sshrl.u32 s9, $0x1;
	s30 =	sadd.s32 s11, s2  }
0xb: {  	s13 =	sshrl.u32 s11, $0x3;
	s11 =	simm.s32 $0x3;
	s29 =	ssub.s32 s9, s10  }
0xc: {  	s12 =	smov.u32 @p0 s4;
	s9 =	sor.u32 $0x1C03, s31;
	s10 =	sshrl.u32 s30, $0x3  }
0xd: {  	s7 =	sadd.s32 s6, s0;
	s0 =	sadd.s32 s8, s0;
	s6 =	sadd.s32 s1, s6  }
0xe: {  	s8 =	sadd.s32 s12, s13;
	s12 =	simm.s32 $0x28;
	s0 =	sadd.s32 $0x56000, s0  }
0xf: {  	s5 =	sadd.s32 $0x1000, s7;
	s7 =	smax.u32 s29, $0x1;
	s21 =	sadd.s32 s13, s0  }
.LBB2_1:
0x10: {  	[spmem:s10], [sflag:s9] =	dma.local [hbm:s8], $0x2800  }
0x11: {  	_ =	swait.ge [sflag:s11], $0x2800  }
0x12: {  	[sflag:s11] =	ssyncset.done $0x0  }
0x13: {  	[sflag:s11] =	ssyncadd.s32 $0xFFFFD800  }
0x14: {  	[tilespmem:s3], [sflag:$0x3] =	stream.linear.gather [hbm4b:s5+s3], $0x1388, $0x38;
	[tilespmem:$0x1F310] =	vst v63  }
0x15: {  	_ =	swait.ge [sflag:s11], $0x1388  }
0x16: {  	[sflag:s11] =	ssyncset.done $0x0  }
0x17: {  	s26 =	simm.s32 $0x1388;
	[sflag:s11] =	ssyncadd.s32 $0xFFFFEC78  }
0x18: {  	[tilespmem:s26], [sflag:$0x3] =	stream.linear.gather [hbm4b:s6+s3], $0x1388, $0x38;
	[tilespmem:$0x1F310] =	vst v63  }
0x19: {  	_ =	swait.ge [sflag:s11], $0x1388  }
0x1a: {  	[sflag:s11] =	ssyncset.done $0x0  }
0x1b: {  	[sflag:s11] =	ssyncadd.s32 $0xFFFFEC78  }
0x1c: {  	s0 =	simm.s32 $0x2710;
	s25 =	smul.u32 $0x25, s3;
	[bflag:$0x0] =	sbarrier.arrive $0xFFFF  }
0x1d: {  	[tilespmem:s0], [sflag:$0x1] =	stream.indirect.gather [hbm4b:s4+s12], $0x80, s3, s12, $0xb8;
	[tilespmem:$0x1F310] =	vst v63  }
0x1e: {  	s0 =	sshrl.u32 s25, $0x8  }
0x1f: {  	s23 =	simm.s32 $0x3B10;
	s1 =	ssub.s32 $0x0, s0  }
0x20: {  	[tilespmem:s23], [sflag:$0x1] =	stream.indirect.gather [hbm4b:s4+s12], $0x80, s12, s12, $0xb8;
	[tilespmem:$0x1F310] =	vst v63  }
0x21: {  	s1 =	sand.u32 $0xFE, s1  }
0x22: {  	s24 =	simm.s32 $0x50;
	s1 =	sshrl.u32 s1, $0x1  }
0x23: {  	[tilespmem:s16], [sflag:$0x1] =	stream.indirect.gather [hbm4b:s4+s12], $0x80, s24, s12, $0xb8;
	[tilespmem:$0x1F310] =	vst v63  }
0x24: {  	s0 =	sadd.s32 s0, s1  }
0x25: {  	p0 =	por $0x0, $0x0;
	s30 =	simm.s32 $0x4;
	s0 =	sand.u32 $0xFC, s0  }
0x26: {  	[tilespmem:s18], [sflag:$0x1] =	stream.indirect.gather [hbm4b:s4+s12], $0x80, s17, s12, $0xb8;
	[tilespmem:$0x1F310] =	vst v63  }
0x27: {  	s1 =	smul.u32 @!p0 $0x25, s30;
	s0 =	sshrl.u32 s0, $0x2  }
0x28: {  	s28 =	simm.s32 $0xA0;
	s29 =	simm.s32 $0x2;
	s0 =	smul.u32 $0x7, s0  }
0x29: {  	s25 =	simm.s32 $0x13B0;
	s23 =	simm.s32 $0xC8;
	s1 =	sshrl.u32 @!p0 s1, $0x8  }
0x2a: {  	s24 =	simm.s32 $0x1;
	s13 =	ssub.s32 @!p0 $0x4, s1;
	s0 =	ssub.s32 $0x0, s0  }
0x2b: {  	_ =	swait.ge [sflag:s19], $0x1400;
	s13 =	sand.u32 @!p0 $0xFE, s13;
	s0 =	sand.u32 $0xFF, s0  }
0x2c: {  	s13 =	sshrl.u32 @!p0 s13, $0x1;
	p0 =	por p0, p0;
	s0 =	smul.u32 $0x5000, s0  }
0x2d: {  	s14 =	smul.u32 $0x25, s24;
	[sflag:s19] =	ssyncset.done $0x0;
	s1 =	sadd.s32 @!p0 s1, s13  }
0x2e: {  	[sflag:s19] =	ssyncadd.s32 $0xFFFFEC00;
	s1 =	sand.u32 @!p0 $0xFC, s1;
	s0 =	sshrl.u32 s0, $0x2  }
0x2f: {  	s31 =	simm.s32 @!p0 $0x28;
	s1 =	sshrl.u32 @!p0 s1, $0x2;
	s13 =	sadd.s32 $0x2710, s0  }
0x30: {  	s0 =	sshrl.u32 s14, $0x8;
	s14 =	smul.u32 @!p0 $0x7, s1;
	s1 =	simm.s32 $0x0  }
.LBB2_2:
0x31: {  	[spmem:s2] =	stream.indirect.scatter.add.f32 [tilespmem:s13], [sflag:$0x2], $0x80, s26, s12, $0xb8;
	[tilespmem:$0x1F310] =	vst v63  }
0x32: {  	s13 =	smov.u32 s29;
	s26 =	smov.u32 s25;
	s29 =	sadd.s32 $0x1, s29  }
0x33: {  	s15 =	ssub.s32 s24, s0;
	p1 =	slt.u32 @!p0 s1, $0x3;
	s14 =	ssub.s32 @!p0 s30, s14  }
0x34: {  	p2 =	sgt.u32 s24, $0x78;
	s15 =	sand.u32 $0xFE, s15;
	s1 =	sand.u32 @!p0 $0xFF, s14  }
0x35: {  	p1 =	por p1, p0;
	s14 =	sshrl.u32 s15, $0x1;
	s1 =	smul.u32 @!p0 $0x5000, s1  }
0x36: {  	s30 =	sadd.s32 $0x4, s24;
	s0 =	sadd.s32 s0, s14;
	s14 =	simm.s32 @!p1 $0x2  }
0x37: {  	s0 =	sand.u32 $0xFC, s0;
	_ =	swait.ge @!p1 [sflag:s14], $0x1400;
	s1 =	sshrl.u32 @!p0 s1, $0x2  }
0x38: {  	s15 =	smul.u32 @!p2 $0x25, s30;
	s0 =	sshrl.u32 s0, $0x2;
	[sflag:s14] =	ssyncset.done @!p1 $0x0  }
0x39: {  	s1 =	sadd.s32 @!p0 $0x2710, s1;
	s0 =	smul.u32 $0x7, s0;
	[sflag:s14] =	ssyncadd.s32 @!p1 $0xFFFFEC00  }
0x3a: {  	[tilespmem:s1], [sflag:$0x1] =	stream.indirect.gather @!p0 [hbm4b:s4+s31], $0x80, s28, s31, $0xb8;
	[tilespmem:$0x1F310] =	vst v63  }
0x3b: {  	p1 =	sne.s32 s29, $0x7D;
	s14 =	sshrl.u32 @!p2 s15, $0x8;
	s1 =	smov.u32 s24  }
0x3c: {  	s15 =	ssub.s32 @!p2 s30, s14;
	s24 =	smov.u32 s13;
	s0 =	ssub.s32 s1, s0  }
0x3d: {  	s28 =	smov.u32 s23;
	s13 =	sand.u32 @!p2 $0xFE, s15;
	s0 =	sand.u32 $0xFF, s0  }
0x3e: {  	p0 =	por p2, p2;
	s13 =	sshrl.u32 @!p2 s13, $0x1;
	s0 =	smul.u32 $0x5000, s0  }
.Ltmp0:
0x3f: {  	s25 =	sadd.s32 $0x28, s25;
	s23 =	sadd.s32 $0x28, s23;
	(pc) =	sbr.rel @p1 .LBB2_2-.Ltmp0, $4  }
0x40: {  	s31 =	simm.s32 @!p0 $0x28;
	s13 =	sadd.s32 @!p0 s14, s13;
	_ =	swait.ge [sflag:s19], $0x1400  }
0x41: {  	s14 =	smul.u32 $0x25, s24;
	s15 =	sand.u32 @!p0 $0xFC, s13;
	s0 =	sshrl.u32 s0, $0x2  }
0x42: {  	s15 =	sshrl.u32 @!p0 s15, $0x2;
	s13 =	sadd.s32 $0x2710, s0;
	[sflag:s19] =	ssyncset.done $0x0  }
0x43: {  	s0 =	sshrl.u32 s14, $0x8;
	s14 =	smul.u32 @!p0 $0x7, s15;
	[sflag:s19] =	ssyncadd.s32 $0xFFFFEC00  }
0x44: {  	[spmem:s2] =	stream.indirect.scatter.add.f32 [tilespmem:s13], [sflag:$0x2], $0x80, s26, s12, $0xb8;
	[tilespmem:$0x1F310] =	vst v63  }
0x45: {  	s29 =	ssub.s32 s24, s0;
	p1 =	slt.u32 @!p0 s1, $0x3;
	s14 =	ssub.s32 @!p0 s30, s14  }
0x46: {  	s13 =	sand.u32 $0xFE, s29;
	p2 =	por p1, p0;
	p1 =	sgt.u32 s24, $0x78  }
0x47: {  	s1 =	sand.u32 @!p0 $0xFF, s14;
	s13 =	sshrl.u32 s13, $0x1;
	s14 =	sadd.s32 $0x4, s24  }
0x48: {  	s1 =	smul.u32 @!p0 $0x5000, s1;
	s30 =	sadd.s32 s0, s13;
	s13 =	simm.s32 @!p2 $0x2  }
0x49: {  	s15 =	smul.u32 @!p1 $0x25, s14;
	_ =	swait.ge @!p2 [sflag:s13], $0x1400  }
0x4a: {  	s0 =	sand.u32 $0xFC, s30;
	s1 =	sshrl.u32 @!p0 s1, $0x2;
	[sflag:s13] =	ssyncset.done @!p2 $0x0  }
0x4b: {  	s0 =	sshrl.u32 s0, $0x2;
	[sflag:s13] =	ssyncadd.s32 @!p2 $0xFFFFEC00;
	s1 =	sadd.s32 @!p0 $0x2710, s1  }
0x4c: {  	[tilespmem:s1], [sflag:$0x1] =	stream.indirect.gather @!p0 [hbm4b:s4+s31], $0x80, s28, s31, $0xb8;
	[tilespmem:$0x1F310] =	vst v63  }
0x4d: {  	s0 =	smul.u32 $0x7, s0;
	s1 =	sshrl.u32 @!p1 s15, $0x8  }
0x4e: {  	s13 =	ssub.s32 @!p1 s14, s1  }
0x4f: {  	s0 =	ssub.s32 s24, s0;
	s13 =	sand.u32 @!p1 $0xFE, s13  }
0x50: {  	p0 =	por p1, p1;
	s0 =	sand.u32 $0xFF, s0;
	s13 =	sshrl.u32 @!p1 s13, $0x1  }
0x51: {  	s0 =	smul.u32 $0x5000, s0;
	s1 =	sadd.s32 @!p0 s1, s13  }
0x52: {  	_ =	swait.ge [sflag:s19], $0x1400;
	s1 =	sand.u32 @!p0 $0xFC, s1  }
0x53: {  	[sflag:s19] =	ssyncset.done $0x0;
	s0 =	sshrl.u32 s0, $0x2;
	s1 =	sshrl.u32 @!p0 s1, $0x2  }
0x54: {  	[sflag:s19] =	ssyncadd.s32 $0xFFFFEC00;
	s0 =	sadd.s32 $0x2710, s0;
	s1 =	smul.u32 @!p0 $0x7, s1  }
0x55: {  	[spmem:s2] =	stream.indirect.scatter.add.f32 [tilespmem:s0], [sflag:$0x2], $0x80, s25, s12, $0xb8;
	[tilespmem:$0x1F310] =	vst v63  }
0x56: {  	p1 =	slt.u32 @!p0 s24, $0x3;
	s0 =	ssub.s32 @!p0 s14, s1  }
0x57: {  	p1 =	por p1, p0;
	s0 =	sand.u32 @!p0 $0xFF, s0  }
0x58: {  	s1 =	simm.s32 @!p1 $0x2;
	s0 =	smul.u32 @!p0 $0x5000, s0  }
0x59: {  	_ =	swait.ge @!p1 [sflag:s1], $0x1400  }
0x5a: {  	[sflag:s1] =	ssyncset.done @!p1 $0x0;
	s0 =	sshrl.u32 @!p0 s0, $0x2  }
0x5b: {  	s13 =	simm.s32 @!p0 $0x28;
	[sflag:s1] =	ssyncadd.s32 @!p1 $0xFFFFEC00;
	s0 =	sadd.s32 @!p0 $0x2710, s0  }
0x5c: {  	[tilespmem:s0], [sflag:$0x1] =	stream.indirect.gather @!p0 [hbm4b:s4+s13], $0x80, s23, s13, $0xb8;
	[tilespmem:$0x1F310] =	vst v63  }
0x5d: {  	_ =	swait.ge [sflag:s20], $0x1400  }
0x5e: {  	[sflag:s20] =	ssyncset.done $0x0  }
0x5f: {  	[sflag:s20] =	ssyncadd.s32 $0xFFFFEC00  }
0x60: {  	_ =	swait.ge [sflag:s20], $0x1400  }
0x61: {  	[sflag:s20] =	ssyncset.done $0x0  }
0x62: {  	[sflag:s20] =	ssyncadd.s32 $0xFFFFEC00  }
0x63: {  	_ =	swait.ge [sflag:s20], $0x1400  }
0x64: {  	[sflag:s20] =	ssyncset.done $0x0  }
0x65: {  	[sflag:s20] =	ssyncadd.s32 $0xFFFFEC00  }
0x66: {  	_ =	swait.ge [sflag:s20], $0x1400  }
0x67: {  	[sflag:s20] =	ssyncset.done $0x0  }
0x68: {  	[sflag:s20] =	ssyncadd.s32 $0xFFFFEC00  }
0x69: {  	_ =	swait.ge [sflag:s20], $0x1400  }
0x6a: {  	[sflag:s20] =	ssyncset.done $0x0  }
0x6b: {  	[sflag:s20] =	ssyncadd.s32 $0xFFFFEC00  }
0x6c: {  	_ =	swait.ge [sflag:s20], $0x1400  }
0x6d: {  	[sflag:s20] =	ssyncset.done $0x0  }
0x6e: {  	[sflag:s20] =	ssyncadd.s32 $0xFFFFEC00  }
0x6f: {  	_ =	swait.ge [sflag:s20], $0x1400  }
0x70: {  	s22 =	sadd.s32 $0x1, s22;
	[sflag:s20] =	ssyncset.done $0x0  }
0x71: {  	p0 =	sne.s32 s22, s7;
	[sflag:s20] =	ssyncadd.s32 $0xFFFFEC00  }
.Ltmp1:
0x72: {  	[bflag:$0x0] =	sbarrier.arrive $0xFFFF;
	(pc) =	sbr.rel @p0 .LBB2_1-.Ltmp1, $4  }
0x73: {  	[hbm:s21], [sflag:s9] =	dma.local [spmem:s10], $0x2800  }
0x74: {  	_ =	swait.ge [sflag:s11], $0x2800  }
0x75: {  	[sflag:s11] =	ssyncset.done $0x0  }
0x76: {  	[sflag:s11] =	ssyncadd.s32 $0xFFFFD800  }
0x77: {  	_ =	sfence.sel $0x180000  }
0x78: {  	[bflag:$0x0] =	sbarrier.arrive $0xFFFF  }
0x79: {  	_ =	strace $0x9000004A  }
0x7a: {  	s0 =	stileid.u32;
	[bflag:$0x2] =	sbarrier.arrive $0xFFFF  }
0x7b: {  	p0 =	sne.s32 s0, $0x0;
	s0 =	rddreg [dreg:$0x3]  }
0x7c: {  	s0 =	sadd.s32 @!p0 $0x100000, s0  }
0x7d: {  	[sflag:s0] =	ssyncadd.tile.s32 @!p0 $0x1;
	_ =	shalt  }
.Lfunc_end2:
_tile_overlayer_lowered:
.L_overlay_start_2:
0x7e: {  	(tag) =	ssettag $0x2  }
0x7f: {  	s0 =	rddreg [dreg:$0x0];
	s2 =	stileid.u32  }
0x80: {  	s1 =	rddreg [dreg:$0x1];
	p0 =	sne.s32 s2, $0x0  }
0x81: {  	s3 =	rddreg [dreg:$0x2];
	[bflag:$0x3] =	sbarrier.arrive $0xFFFF;
	s2 =	simm.s32 @!p0 $0x1C03  }
0x82: {  	[timem:s3], [sflag:s2] =	dma.local @!p0 [hbm:s0], s1  }
0x83: {  	s0 =	simm.s32 @!p0 $0x3  }
0x84: {  	_ =	swait.ge @!p0 [sflag:s0], s1  }
0x85: {  	s1 =	ssub.s32 @!p0 $0x0, s1;
	[sflag:s0] =	ssyncset.done @!p0 $0x0  }
0x86: {  	[sflag:s0] =	ssyncadd.s32 @!p0 s1  }
0x87: {  	[bflag:$0x3] =	sbarrier.arrive $0xFFFF  }
0x88: {  	_ =	shalt  }

// kernel: kernel.14.cloned.1.call-start
scs
__scs_entry_jumppad:
0x0: {  	(pc) =	sbr.rel $0x88, $3  }
0x1: {  	(tag) =	ssettag $0x0;
	lr =	simm.s32 $0x1  }
0x2: {  	[smem:$0x3F9B] =	sst lr;
	_ =	strace $0xD0000000  }
0x3: {  	_ = 	snop  }
0x4: {  	_ = 	snop  }
0x5: {  	_ = 	snop  }
0x6: {  	_ = 	snop  }
0x7: {  	_ = 	snop  }
__scs_overlays_trampoline_lowered:
0x8: {  	[smem:$0x3FAA] =	sst s0  }
0x9: {  	[smem:$0x3FAB] =	sst s1  }
0xa: {  	[smem:$0x3FAC] =	sst s2  }
0xb: {  	[smem:$0x3FAD] =	sst s3  }
0xc: {  	[smem:$0x3FAE] =	sst s4  }
0xd: {  	[smem:$0x3FAF] =	sst s5  }
0xe: {  	[smem:$0x3FB0] =	sst s6  }
0xf: {  	[smem:$0x3FB1] =	sst s7  }
0x10: {  	[smem:$0x3FB2] =	sst s8  }
0x11: {  	[smem:$0x3FB3] =	sst s9;
	s0 =	simm.s32 @!p0 $0x0  }
0x12: {  	s1 =	sld [smem:$0x3F99];
	s0 =	simm.s32 @p0 $0x1  }
0x13: {  	[smem:$0x3FB4] =	sst s0;
	s0 =	simm.s32 @!p1 $0x0  }
0x14: {  	s2 =	sld [smem:$0x3F98];
	s0 =	simm.s32 @p1 $0x1  }
0x15: {  	[smem:$0x3FB5] =	sst s0;
	s0 =	simm.s32 @!p2 $0x0  }
0x16: {  	s3 =	sld [smem:$0x3FDB];
	s0 =	simm.s32 @p2 $0x1  }
0x17: {  	s4 =	simm.s32 $0x1BF5;
	[smem:$0x3FB7] =	sst s0  }
0x18: {  	s0 =	sld [smem:$0x3F9A];
	_ =	swait.ge [sflag:s4], $0x0  }
0x19: {  	s7 =	sld [smem:$0x3F9B]  }
0x1a: {  	s8 =	sadd.s32 $0xFFFFE003, lr  }
0x1b: {  	s9 =	sadd.s32 $0xFFFFFEF7, lr;
	s5 =	simm.s32 $0xFFFFFFFF;
	p2 =	slt.u32 s8, $0xFFFFF086  }
0x1c: {  	p1 =	slt.u32 s9, $0xF7A;
	s5 =	simm.s32 @!p2 $0x0  }
0x1d: {  	s5 =	simm.s32 @p1 $0x1;
	p0 =	seq.s32 s7, s2  }
0x1e: {  	s7 =	smul.u32 @!p0 $0xF7A, s2;
	p2 =	seq.s32 @!p0 s5, $0x0  }
0x1f: {  	s9 =	smul.u32 $0xF7A, s1;
	s8 =	simm.s32 @!p0 $0x1BF5;
	p2 =	por !p2, p0  }
0x20: {  	[sflag:s8] =	ssyncset.s32 @!p0 $0xFFFFF086;
	s6 =	sadd.s32 @!p0 s3, s7;
	s7 =	simm.s32 @!p0 $0x108  }
0x21: {  	s3 =	sadd.s32 s3, s9;
	s6 =	sadd.s32 @!p0 $0x88, s6;
	s7 =	simm.s32 @p2 $0x1082  }
0x22: {  	[simem:s7], [sflag:s8] =	dma.local @!p0 [hbm:s6], $0xF7A  }
0x23: {  	s9 =	sor.u32 $0xD0000000, s2;
	s6 =	simm.s32 $0x108;
	_ =	swait.ge @!p0 [sflag:s8], $0x0  }
0x24: {  	s3 =	sadd.s32 $0x88, s3;
	s6 =	simm.s32 @!p1 $0x1082;
	[sflag:s4] =	ssyncset.s32 $0xFFFFF086  }
0x25: {  	[simem:s6], [sflag:s4] =	dma.local [hbm:s3], $0xF7A  }
0x26: {  	[smem:$0x3F9B] =	sst s1;
	(tag) =	ssettag s2;
	_ =	strace s9  }
0x27: {  	s1 =	sld [smem:$0x3FAB]  }
0x28: {  	s2 =	sld [smem:$0x3FAC]  }
0x29: {  	s4 =	sld [smem:$0x3FAE]  }
0x2a: {  	p0 =	seq.s32 s5, $0x0;
	s5 =	sld [smem:$0x3FAF]  }
0x2b: {  	s6 =	sld [smem:$0x3FB0]  }
0x2c: {  	s7 =	sld [smem:$0x3FB1]  }
0x2d: {  	s3 =	simm.s32 $0x108;
	s8 =	sld [smem:$0x3FB2]  }
0x2e: {  	s3 =	simm.s32 @!p0 $0x1082;
	s9 =	sld [smem:$0x3FB3]  }
0x2f: {  	lr =	sadd.s32 s0, s3;
	s0 =	sld [smem:$0x3FAA]  }
0x30: {  	s3 =	sld [smem:$0x3FAD]  }
0x31: {  	[smem:$0x3FB6] =	sst s10  }
0x32: {  	s10 =	sld [smem:$0x3FB4];
	_ =	sdelay $0x3  }
0x33: {  	p0 =	seq.s32 s10, $0x1;
	s10 =	sld [smem:$0x3FB6];
	_ =	sdelay $0x3  }
0x34: {  	[smem:$0x3FB6] =	sst s10  }
0x35: {  	s10 =	sld [smem:$0x3FB5];
	_ =	sdelay $0x3  }
0x36: {  	p1 =	seq.s32 s10, $0x1;
	s10 =	sld [smem:$0x3FB6];
	_ =	sdelay $0x3  }
0x37: {  	[smem:$0x3FB6] =	sst s10  }
0x38: {  	s10 =	sld [smem:$0x3FB7]  }
0x39: {  	_ = 	snop;
	(pc) =	sbr.ind lr, $3  }
0x3a: {  	_ = 	snop  }
0x3b: {  	_ = 	snop  }
0x3c: {  	p2 =	seq.s32 s10, $0x1;
	s10 =	sld [smem:$0x3FB6]  }
0x3d: {  	_ =	shalt  }
0x3e: {  	_ =	shalt  }
0x3f: {  	_ =	shalt  }
0x40: {  	_ =	shalt  }
0x41: {  	_ =	shalt  }
0x42: {  	_ =	shalt  }
0x43: {  	_ =	shalt  }
0x44: {  	_ =	shalt  }
0x45: {  	_ =	shalt  }
0x46: {  	_ =	shalt  }
0x47: {  	_ =	shalt  }
0x48: {  	_ =	shalt  }
0x49: {  	_ =	shalt  }
0x4a: {  	_ =	shalt  }
0x4b: {  	_ =	shalt  }
0x4c: {  	_ =	shalt  }
0x4d: {  	_ =	shalt  }
0x4e: {  	_ =	shalt  }
0x4f: {  	_ =	shalt  }
0x50: {  	_ =	shalt  }
0x51: {  	_ =	shalt  }
0x52: {  	_ =	shalt  }
0x53: {  	_ =	shalt  }
0x54: {  	_ =	shalt  }
0x55: {  	_ =	shalt  }
0x56: {  	_ =	shalt  }
0x57: {  	_ =	shalt  }
0x58: {  	_ =	shalt  }
0x59: {  	_ =	shalt  }
0x5a: {  	_ =	shalt  }
0x5b: {  	_ =	shalt  }
0x5c: {  	_ =	shalt  }
0x5d: {  	_ =	shalt  }
0x5e: {  	_ =	shalt  }
0x5f: {  	_ =	shalt  }
0x60: {  	_ =	shalt  }
0x61: {  	_ =	shalt  }
0x62: {  	_ =	shalt  }
0x63: {  	_ =	shalt  }
0x64: {  	_ =	shalt  }
0x65: {  	_ =	shalt  }
0x66: {  	_ =	shalt  }
0x67: {  	_ =	shalt  }
0x68: {  	_ =	shalt  }
0x69: {  	_ =	shalt  }
0x6a: {  	_ =	shalt  }
0x6b: {  	_ =	shalt  }
0x6c: {  	_ =	shalt  }
0x6d: {  	_ =	shalt  }
0x6e: {  	_ =	shalt  }
0x6f: {  	_ =	shalt  }
0x70: {  	_ =	shalt  }
0x71: {  	_ =	shalt  }
0x72: {  	_ =	shalt  }
0x73: {  	_ =	shalt  }
0x74: {  	_ =	shalt  }
0x75: {  	_ =	shalt  }
0x76: {  	_ =	shalt  }
0x77: {  	_ =	shalt  }
0x78: {  	_ =	shalt  }
0x79: {  	_ =	shalt  }
0x7a: {  	_ =	shalt  }
0x7b: {  	_ =	shalt  }
0x7c: {  	_ =	shalt  }
0x7d: {  	_ =	shalt  }
0x7e: {  	_ =	shalt  }
0x7f: {  	_ =	shalt  }
0x80: {  	_ =	shalt  }
0x81: {  	_ =	shalt  }
0x82: {  	_ =	shalt  }
0x83: {  	_ =	shalt  }
0x84: {  	_ =	shalt  }
0x85: {  	_ =	shalt  }
0x86: {  	_ =	shalt  }
0x87: {  	_ =	shalt  }
.Lfunc_end0:
.L_simem_size_0:
called_computation.2_lowered:
.L_overlay_start_0:
0x88: {  	s2 =	sld [smem:$0x3FD9]  }
0x89: {  	s3 =	sld [smem:$0x3FFE];
	_ =	sdelay $0x1  }
0x8a: {  	s1 =	srdreg.scid  }
0x8b: {  	s0 =	sand.u32 $0x1, s1  }
0x8c: {  	s17 =	sshll.u32 s0, $0xA;
	s2 =	sadd.s32 s3, s2  }
0x8d: {  	s2 =	sadd.s32 s2, s17  }
0x8e: {  	[smem:$0x3FC2] =	sst s2  }
0x8f: {  	_ = 	snop  }
0x90: {  	s2 =	sld [smem:$0x3FD0];
	(tm) =	ssettm $0x1  }
0x91: {  	s18 =	sld [smem:$0x3FFB];
	_ =	sdelay $0x3  }
0x92: {  	_ =	strace s18  }
0x93: {  	s3 =	sld [smem:$0x3FFC];
	_ =	sdelay $0x3  }
0x94: {  	_ =	strace s3  }
0x95: {  	s3 =	sld [smem:$0x3FFD];
	_ =	sdelay $0x3  }
0x96: {  	_ =	strace s3  }
0x97: {  	_ =	strace $0x8FFFFFFF  }
0x98: {  	s19 =	sld [smem:$0x3FDB];
	_ =	sdelay $0x1  }
0x99: {  	s4 =	simm.s32 $_scs_section_size  }
0x9a: {  	s5 =	simm.s32 $_size__tile_overlayer_lowered;
	s6 =	simm.s32 $_tile_overlayer_lowered  }
0x9b: {  	s22 =	simm.s32 $0x1BFF;
	s21 =	sshll.u32 s6, $0x1;
	s3 =	sadd.s32 s4, s19  }
0x9c: {  	s7 =	simm.s32 $0x0;
	s20 =	sshll.u32 s5, $0x1;
	s5 =	sadd.s32 s21, s3  }
0x9d: {  	[timem:s7], [sflag:s22] =	dma.local [hbm:s5], s20  }
0x9e: {  	_ =	swait.ge [sflag:s22], s20  }
0x9f: {  	s4 =	ssub.s32 $0x0, s20;
	[sflag:s22] =	ssyncset.done $0x0  }
0xa0: {  	[sflag:s22] =	ssyncadd.s32 s4;
	_ =	sdelay $0x1  }
0xa1: {  	s23 =	simm.s32 $0x1B8B  }
0xa2: {  	_ =	swait.ge [sflag:s23], $0x1  }
0xa3: {  	[sflag:s23] =	ssyncset.done $0x0  }
0xa4: {  	s25 =	simm.s32 $0x1B8E;
	s24 =	sld [smem:$0x3FFE];
	[sflag:s23] =	ssyncadd.s32 $0xFFFFFFFF  }
0xa5: {  	s26 =	simm.s32 $execute0_lowered;
	[smem:$0x3FD2] =	sst s25  }
0xa6: {  	s5 =	sshll.u32 s26, $0x1;
	_ =	strace $0x8000004C;
	[dreg:$0x1] =	wrdreg $0xFFFFFFFF  }
0xa7: {  	s28 =	simm.s32 $_size_execute0_lowered;
	s3 =	sadd.s32 s3, s5;
	[dreg:$0x0] =	wrdreg $0x0  }
0xa8: {  	s5 =	sshll.u32 s28, $0x1;
	[dreg:$0x2] =	wrdreg s3  }
0xa9: {  	[dreg:$0x3] =	wrdreg s5  }
0xaa: {  	[dreg:$0x4] =	wrdreg $0xC0  }
0xab: {  	_ =	task [dreg:s7], $0x5FFFF  }
0xac: {  	[dreg:$0x1] =	wrdreg $0xFFFFFFFF  }
0xad: {  	[dreg:$0x0] =	wrdreg $0x60  }
0xae: {  	[dreg:$0x2] =	wrdreg s24  }
0xaf: {  	[dreg:$0x3] =	wrdreg s2  }
0xb0: {  	[dreg:$0x4] =	wrdreg $0x65900  }
0xb1: {  	[dreg:$0x5] =	wrdreg $0x9  }
0xb2: {  	_ =	task.clear_ibuf [dreg:s7], $0x6FFFF;
	_ =	strace $0x9000004C  }
0xb3: {  	s29 =	simm.s32 $0x9;
	_ =	strace $0x8000004E  }
0xb4: {  	_ =	swait.ge [sflag:s29], $0x1  }
0xb5: {  	[sflag:s29] =	ssyncadd.s32 $0xFFFFFFFF  }
0xb6: {  	_ =	strace $0x9000004E  }
0xb7: {  	_ =	sfence  }
0xb8: {  	s30 =	sld [smem:$0x0];
	_ =	sdelay $0x2  }
0xb9: {  	s31 =	sshll.u32 s1, $0xD;
	s1 =	sshrl.u32 s1, $0x2  }
0xba: {  	s3 =	sand.u32 $0x4000, s31;
	s1 =	sadd.s32 s1, s30  }
0xbb: {  	s0 =	sor.u32 s3, s0;
	s1 =	sshll.u32 s1, $0x11  }
0xbc: {  	s0 =	sor.u32 s1, s0  }
0xbd: {  	s0 =	sadd.s32 $0x8F2B, s0  }
0xbe: {  	[sflag:s0] =	ssyncadd.remote.s32 $0x1  }
0xbf: {  	_ =	sfence.sel $0xFFFF  }
0xc0: {  	[dreg:$0x0] =	wrdreg $0xFFFFFFFF;
	(pc) =	sbr.abs _section_cstart, $3  }
0xc1: {  	[dreg:$0x1] =	wrdreg $0xFFFFFFFF  }
0xc2: {  	_ =	task.clear_ibuf [dreg:s7], $0x2FFFF;
	_ =	strace $0x9FFFFFFF  }
0xc3: {  	(tm) =	ssettm $0x7FFFFFFF  }
tec
execute0_lowered:
.L_overlay_start_1:
0x0: {  	(tag) =	ssettag $0x1  }
0x1: {  	s0 =	rddreg [dreg:$0x0]  }
0x2: {  	s1 =	srdreg.scid;
	s6 =	rddreg [dreg:$0x1]  }
0x3: {  	s12 =	stileid.u32;
	s2 =	rddreg [dreg:$0x2];
	s18 =	simm.s32 $0x39D0  }
0x4: {  	s19 =	simm.s32 $0xA0;
	s20 =	simm.s32 $0x4010;
	s21 =	simm.s32 $0x1  }
0x5: {  	s22 =	simm.s32 $0x2;
	s24 =	simm.s32 $0x0;
	s1 =	sand.u32 $0x1, s1  }
0x6: {  	s3 =	sshll.u32 s12, $0x1;
	s10 =	smul.u32 $0x6400, s12;
	s11 =	sadd.s32 $0x12800, s0  }
0x7: {  	s31 =	sshll.u32 s12, $0x6;
	s12 =	simm.s32 $0x28;
	s4 =	sor.u32 s1, s3  }
0x8: {  	s3 =	simm.s32 $0x0;
	s8 =	smul.u32 $0xC800, s1;
	s9 =	ssub.s32 $0x2, s1  }
0x9: {  	p0 =	seq.s32 s1, $0x0;
	s7 =	smul.u32 $0x271, s4;
	[smem:$0x7FF] =	sst s3  }
0xa: {  	s4 =	sadd.s32 $0x6000, s0;
	s29 =	sshrl.u32 s9, $0x1;
	s30 =	sadd.s32 s10, s2  }
0xb: {  	s13 =	sshrl.u32 s10, $0x3;
	_ =	strace $0x8000004D;
	s11 =	smov.u32 @p0 s4  }
0xc: {  	s10 =	sshrl.u32 s30, $0x3;
	s5 =	sadd.s32 s7, s0;
	s0 =	sadd.s32 s8, s0  }
0xd: {  	s8 =	ssub.s32 s9, s29;
	s6 =	sadd.s32 s6, s7;
	s9 =	sor.u32 $0x1C03, s31  }
0xe: {  	s5 =	sadd.s32 $0x1000, s5;
	s0 =	sadd.s32 $0x1F000, s0;
	s7 =	smax.u32 s8, $0x1  }
0xf: {  	s8 =	sadd.s32 s11, s13;
	s11 =	simm.s32 $0x3;
	s23 =	sadd.s32 s13, s0  }
.LBB2_1:
0x10: {  	[spmem:s10], [sflag:s9] =	dma.local [hbm:s8], $0xC80  }
0x11: {  	_ =	swait.ge [sflag:s11], $0xC80  }
0x12: {  	[sflag:s11] =	ssyncset.done $0x0  }
0x13: {  	[sflag:s11] =	ssyncadd.s32 $0xFFFFF380  }
0x14: {  	[tilespmem:s3], [sflag:$0x3] =	stream.linear.gather [hbm4b:s5+s3], $0x1388, $0x38;
	[tilespmem:$0xC990] =	vst v63  }
0x15: {  	_ =	swait.ge [sflag:s11], $0x1388  }
0x16: {  	[sflag:s11] =	ssyncset.done $0x0  }
0x17: {  	s31 =	simm.s32 $0x1388;
	[sflag:s11] =	ssyncadd.s32 $0xFFFFEC78  }
0x18: {  	[tilespmem:s31], [sflag:$0x3] =	stream.linear.gather [hbm4b:s6+s3], $0x1388, $0x38;
	[tilespmem:$0xC990] =	vst v63  }
0x19: {  	_ =	swait.ge [sflag:s11], $0x1388  }
0x1a: {  	[sflag:s11] =	ssyncset.done $0x0  }
0x1b: {  	[sflag:s11] =	ssyncadd.s32 $0xFFFFEC78  }
0x1c: {  	s0 =	simm.s32 $0x2710;
	s26 =	smul.u32 $0xCD, s3;
	[bflag:$0x0] =	sbarrier.arrive $0xFFFF  }
0x1d: {  	[tilespmem:s0], [sflag:$0x1] =	stream.indirect.gather [hbm4b:s4+s12], $0x28, s3, s12, $0xb8;
	[tilespmem:$0xC990] =	vst v63  }
0x1e: {  	s16 =	simm.s32 $0x2D50;
	s0 =	sshrl.u32 s26, $0xB  }
0x1f: {  	s17 =	simm.s32 $0x50;
	s1 =	simm.s32 $0x3390;
	s0 =	sand.u32 $0x1F, s0  }
0x20: {  	[tilespmem:s16], [sflag:$0x1] =	stream.indirect.gather [hbm4b:s4+s12], $0x28, s12, s12, $0xb8;
	[tilespmem:$0xC990] =	vst v63  }
0x21: {  	s25 =	simm.s32 $0x78;
	p1 =	por $0x0, $0x0;
	s0 =	smul.u32 $0xA, s0  }
0x22: {  	[tilespmem:s1], [sflag:$0x1] =	stream.indirect.gather [hbm4b:s4+s12], $0x28, s17, s12, $0xb8;
	[tilespmem:$0xC990] =	vst v63  }
0x23: {  	s29 =	simm.s32 $0xC8;
	s28 =	simm.s32 $0x1;
	s1 =	simm.s32 $0x5  }
0x24: {  	s30 =	simm.s32 $0x2;
	s0 =	ssub.s32 $0x0, s0;
	s1 =	smul.u32 @!p1 $0xCD, s1  }
0x25: {  	[tilespmem:s18], [sflag:$0x1] =	stream.indirect.gather [hbm4b:s4+s12], $0x28, s25, s12, $0xb8;
	[tilespmem:$0xC990] =	vst v63  }
0x26: {  	s14 =	smul.u32 $0xCD, s28;
	s0 =	sand.u32 $0xFF, s0;
	s1 =	sshrl.u32 @!p1 s1, $0xB  }
0x27: {  	[tilespmem:s20], [sflag:$0x1] =	stream.indirect.gather [hbm4b:s4+s12], $0x28, s19, s12, $0xb8;
	[tilespmem:$0xC990] =	vst v63  }
0x28: {  	p0 =	por @!p1 $0x1, $0x1;
	s0 =	smul.u32 $0x1900, s0;
	s1 =	sand.u32 @!p1 $0x1F, s1  }
0x29: {  	p2 =	por p1, p1;
	p0 =	por p0, p1;
	s1 =	smul.u32 @!p1 $0xA, s1  }
0x2a: {  	s26 =	simm.s32 $0x13B0;
	s25 =	simm.s32 $0xF0;
	s0 =	sshrl.u32 s0, $0x2  }
0x2b: {  	_ =	swait.ge [sflag:s21], $0x640;
	s0 =	sadd.s32 $0x2710, s0;
	s1 =	ssub.s32 @!p2 $0x5, s1  }
0x2c: {  	p1 =	por $0x0, $0x0;
	[sflag:s21] =	ssyncset.done $0x0;
	s1 =	sand.u32 @!p2 $0xFF, s1  }
0x2d: {  	[sflag:s21] =	ssyncadd.s32 $0xFFFFF9C0;
	s13 =	smul.u32 @!p2 $0x1900, s1;
	s1 =	simm.s32 @!p2 $0x28  }
.LBB2_2:
0x2e: {  	s14 =	sshrl.u32 s14, $0xB;
	p3 =	slt.u32 @!p1 s28, $0x5  }
0x2f: {  	s15 =	simm.s32 @!p0 $0x2;
	s16 =	smov.u32 s30;
	s17 =	sadd.s32 $0x5, s28  }
0x30: {  	[spmem:s2] =	stream.indirect.scatter.add.f32 [tilespmem:s0], [sflag:$0x2], $0x28, s31, s12, $0xb8;
	[tilespmem:$0xC990] =	vst v63  }
0x31: {  	s30 =	sadd.s32 $0x1, s30;
	s0 =	sand.u32 $0x1F, s14;
	_ =	swait.ge @!p0 [sflag:s15], $0x640  }
0x32: {  	s13 =	sshrl.u32 @!p2 s13, $0x2;
	s0 =	smul.u32 $0xA, s0;
	[sflag:s15] =	ssyncset.done @!p0 $0x0  }
0x33: {  	s14 =	smul.u32 @!p1 $0xCD, s17;
	s13 =	sadd.s32 @!p2 $0x2710, s13;
	[sflag:s15] =	ssyncadd.s32 @!p0 $0xFFFFF9C0  }
0x34: {  	[tilespmem:s13], [sflag:$0x1] =	stream.indirect.gather @!p2 [hbm4b:s4+s1], $0x28, s29, s1, $0xb8;
	[tilespmem:$0xC990] =	vst v63  }
0x35: {  	s0 =	ssub.s32 s28, s0;
	p0 =	por p3, p1;
	p3 =	sne.s32 s30, $0x7D  }
0x36: {  	s28 =	smov.u32 s16;
	s0 =	sand.u32 $0xFF, s0;
	s1 =	sshrl.u32 @!p1 s14, $0xB  }
0x37: {  	s1 =	sand.u32 @!p1 $0x1F, s1;
	s0 =	smul.u32 $0x1900, s0;
	_ =	swait.ge [sflag:s21], $0x640  }
0x38: {  	s29 =	smov.u32 s25;
	s1 =	smul.u32 @!p1 $0xA, s1;
	[sflag:s21] =	ssyncset.done $0x0  }
.Ltmp0:
0x39: {  	[sflag:s21] =	ssyncadd.s32 $0xFFFFF9C0;
	(pc) =	sbr.rel @p3 .LBB2_2-.Ltmp0, $4  }
0x3a: {  	s31 =	smov.u32 s26;
	p2 =	por p1, p1;
	s0 =	sshrl.u32 s0, $0x2  }
0x3b: {  	s14 =	smul.u32 $0xCD, s28;
	s0 =	sadd.s32 $0x2710, s0;
	s1 =	ssub.s32 @!p2 s17, s1  }
0x3c: {  	s26 =	sadd.s32 $0x28, s26;
	s25 =	sadd.s32 $0x28, s25;
	s1 =	sand.u32 @!p2 $0xFF, s1  }
0x3d: {  	p1 =	sgt.u32 s28, $0x77;
	s13 =	smul.u32 @!p2 $0x1900, s1;
	s1 =	simm.s32 @!p2 $0x28  }
0x3e: {  	s14 =	sshrl.u32 s14, $0xB;
	s15 =	simm.s32 @!p0 $0x2  }
0x3f: {  	[spmem:s2] =	stream.indirect.scatter.add.f32 [tilespmem:s0], [sflag:$0x2], $0x28, s31, s12, $0xb8;
	[tilespmem:$0xC990] =	vst v63  }
0x40: {  	s31 =	sand.u32 $0x1F, s14;
	s14 =	sadd.s32 $0x5, s28;
	_ =	swait.ge @!p0 [sflag:s15], $0x640  }
0x41: {  	s13 =	sshrl.u32 @!p2 s13, $0x2;
	s0 =	smul.u32 $0xA, s31;
	[sflag:s15] =	ssyncset.done @!p0 $0x0  }
0x42: {  	s16 =	smul.u32 @!p1 $0xCD, s14;
	s13 =	sadd.s32 @!p2 $0x2710, s13;
	[sflag:s15] =	ssyncadd.s32 @!p0 $0xFFFFF9C0  }
0x43: {  	[tilespmem:s13], [sflag:$0x1] =	stream.indirect.gather @!p2 [hbm4b:s4+s1], $0x28, s29, s1, $0xb8;
	[tilespmem:$0xC990] =	vst v63  }
0x44: {  	s1 =	sshrl.u32 @!p1 s16, $0xB  }
0x45: {  	s0 =	ssub.s32 s28, s0;
	s1 =	sand.u32 @!p1 $0x1F, s1  }
0x46: {  	p0 =	por p1, p1;
	s0 =	sand.u32 $0xFF, s0;
	s1 =	smul.u32 @!p1 $0xA, s1  }
0x47: {  	p2 =	slt.u32 @!p1 s28, $0x5;
	_ =	swait.ge [sflag:s21], $0x640;
	s0 =	smul.u32 $0x1900, s0  }
0x48: {  	p1 =	por p2, p1;
	[sflag:s21] =	ssyncset.done $0x0;
	s1 =	ssub.s32 @!p0 s14, s1  }
0x49: {  	[sflag:s21] =	ssyncadd.s32 $0xFFFFF9C0;
	s0 =	sshrl.u32 s0, $0x2;
	s1 =	sand.u32 @!p0 $0xFF, s1  }
0x4a: {  	s13 =	simm.s32 @!p1 $0x2;
	s0 =	sadd.s32 $0x2710, s0;
	s1 =	smul.u32 @!p0 $0x1900, s1  }
0x4b: {  	[spmem:s2] =	stream.indirect.scatter.add.f32 [tilespmem:s0], [sflag:$0x2], $0x28, s26, s12, $0xb8;
	[tilespmem:$0xC990] =	vst v63  }
0x4c: {  	_ =	swait.ge @!p1 [sflag:s13], $0x640  }
0x4d: {  	[sflag:s13] =	ssyncset.done @!p1 $0x0;
	s0 =	sshrl.u32 @!p0 s1, $0x2  }
0x4e: {  	s1 =	simm.s32 @!p0 $0x28;
	[sflag:s13] =	ssyncadd.s32 @!p1 $0xFFFFF9C0;
	s0 =	sadd.s32 @!p0 $0x2710, s0  }
0x4f: {  	[tilespmem:s0], [sflag:$0x1] =	stream.indirect.gather @!p0 [hbm4b:s4+s1], $0x28, s25, s1, $0xb8;
	[tilespmem:$0xC990] =	vst v63  }
0x50: {  	_ =	swait.ge [sflag:s22], $0x640  }
0x51: {  	[sflag:s22] =	ssyncset.done $0x0  }
0x52: {  	[sflag:s22] =	ssyncadd.s32 $0xFFFFF9C0  }
0x53: {  	_ =	swait.ge [sflag:s22], $0x640  }
0x54: {  	[sflag:s22] =	ssyncset.done $0x0  }
0x55: {  	[sflag:s22] =	ssyncadd.s32 $0xFFFFF9C0  }
0x56: {  	_ =	swait.ge [sflag:s22], $0x640  }
0x57: {  	[sflag:s22] =	ssyncset.done $0x0  }
0x58: {  	[sflag:s22] =	ssyncadd.s32 $0xFFFFF9C0  }
0x59: {  	_ =	swait.ge [sflag:s22], $0x640  }
0x5a: {  	[sflag:s22] =	ssyncset.done $0x0  }
0x5b: {  	[sflag:s22] =	ssyncadd.s32 $0xFFFFF9C0  }
0x5c: {  	_ =	swait.ge [sflag:s22], $0x640  }
0x5d: {  	[sflag:s22] =	ssyncset.done $0x0  }
0x5e: {  	[sflag:s22] =	ssyncadd.s32 $0xFFFFF9C0  }
0x5f: {  	_ =	swait.ge [sflag:s22], $0x640  }
0x60: {  	[sflag:s22] =	ssyncset.done $0x0  }
0x61: {  	[sflag:s22] =	ssyncadd.s32 $0xFFFFF9C0  }
0x62: {  	_ =	swait.ge [sflag:s22], $0x640  }
0x63: {  	[sflag:s22] =	ssyncset.done $0x0  }
0x64: {  	[sflag:s22] =	ssyncadd.s32 $0xFFFFF9C0  }
0x65: {  	_ =	swait.ge [sflag:s22], $0x640  }
0x66: {  	[sflag:s22] =	ssyncset.done $0x0  }
0x67: {  	[sflag:s22] =	ssyncadd.s32 $0xFFFFF9C0  }
0x68: {  	_ =	swait.ge [sflag:s22], $0x640  }
0x69: {  	[sflag:s22] =	ssyncset.done $0x0  }
0x6a: {  	[sflag:s22] =	ssyncadd.s32 $0xFFFFF9C0  }
0x6b: {  	_ =	swait.ge [sflag:s22], $0x640  }
0x6c: {  	s24 =	sadd.s32 $0x1, s24;
	[sflag:s22] =	ssyncset.done $0x0  }
0x6d: {  	p0 =	sne.s32 s24, s7;
	[sflag:s22] =	ssyncadd.s32 $0xFFFFF9C0  }
.Ltmp1:
0x6e: {  	[bflag:$0x0] =	sbarrier.arrive $0xFFFF;
	(pc) =	sbr.rel @p0 .LBB2_1-.Ltmp1, $4  }
0x6f: {  	[hbm:s23], [sflag:s9] =	dma.local [spmem:s10], $0xC80  }
0x70: {  	_ =	swait.ge [sflag:s11], $0xC80  }
0x71: {  	[sflag:s11] =	ssyncset.done $0x0  }
0x72: {  	[sflag:s11] =	ssyncadd.s32 $0xFFFFF380  }
0x73: {  	_ =	sfence.sel $0x180000  }
0x74: {  	[bflag:$0x0] =	sbarrier.arrive $0xFFFF  }
0x75: {  	_ =	strace $0x9000004D  }
0x76: {  	s0 =	stileid.u32;
	[bflag:$0x2] =	sbarrier.arrive $0xFFFF  }
0x77: {  	p0 =	sne.s32 s0, $0x0;
	s0 =	rddreg [dreg:$0x3]  }
0x78: {  	s0 =	sadd.s32 @!p0 $0x100000, s0  }
0x79: {  	[sflag:s0] =	ssyncadd.tile.s32 @!p0 $0x1;
	_ =	shalt  }
.Lfunc_end2:
_tile_overlayer_lowered:
.L_overlay_start_2:
0x7a: {  	(tag) =	ssettag $0x2  }
0x7b: {  	s0 =	rddreg [dreg:$0x0];
	s2 =	stileid.u32  }
0x7c: {  	s1 =	rddreg [dreg:$0x1];
	p0 =	sne.s32 s2, $0x0  }
0x7d: {  	s3 =	rddreg [dreg:$0x2];
	[bflag:$0x3] =	sbarrier.arrive $0xFFFF;
	s2 =	simm.s32 @!p0 $0x1C03  }
0x7e: {  	[timem:s3], [sflag:s2] =	dma.local @!p0 [hbm:s0], s1  }
0x7f: {  	s0 =	simm.s32 @!p0 $0x3  }
0x80: {  	_ =	swait.ge @!p0 [sflag:s0], s1  }
0x81: {  	s1 =	ssub.s32 @!p0 $0x0, s1;
	[sflag:s0] =	ssyncset.done @!p0 $0x0  }
0x82: {  	[sflag:s0] =	ssyncadd.s32 @!p0 s1  }
0x83: {  	[bflag:$0x3] =	sbarrier.arrive $0xFFFF  }
0x84: {  	_ =	shalt  }

// kernel: kernel.8.cloned.1.call-start
scs
__scs_entry_jumppad:
0x0: {  	(pc) =	sbr.rel $0x88, $3  }
0x1: {  	(tag) =	ssettag $0x0;
	lr =	simm.s32 $0x1  }
0x2: {  	[smem:$0x3F9B] =	sst lr;
	_ =	strace $0xD0000000  }
0x3: {  	_ = 	snop  }
0x4: {  	_ = 	snop  }
0x5: {  	_ = 	snop  }
0x6: {  	_ = 	snop  }
0x7: {  	_ = 	snop  }
__scs_overlays_trampoline_lowered:
0x8: {  	[smem:$0x3FAA] =	sst s0  }
0x9: {  	[smem:$0x3FAB] =	sst s1  }
0xa: {  	[smem:$0x3FAC] =	sst s2  }
0xb: {  	[smem:$0x3FAD] =	sst s3  }
0xc: {  	[smem:$0x3FAE] =	sst s4  }
0xd: {  	[smem:$0x3FAF] =	sst s5  }
0xe: {  	[smem:$0x3FB0] =	sst s6  }
0xf: {  	[smem:$0x3FB1] =	sst s7  }
0x10: {  	[smem:$0x3FB2] =	sst s8  }
0x11: {  	[smem:$0x3FB3] =	sst s9;
	s0 =	simm.s32 @!p0 $0x0  }
0x12: {  	s1 =	sld [smem:$0x3F99];
	s0 =	simm.s32 @p0 $0x1  }
0x13: {  	[smem:$0x3FB4] =	sst s0;
	s0 =	simm.s32 @!p1 $0x0  }
0x14: {  	s2 =	sld [smem:$0x3F98];
	s0 =	simm.s32 @p1 $0x1  }
0x15: {  	[smem:$0x3FB5] =	sst s0;
	s0 =	simm.s32 @!p2 $0x0  }
0x16: {  	s3 =	sld [smem:$0x3FDB];
	s0 =	simm.s32 @p2 $0x1  }
0x17: {  	s4 =	simm.s32 $0x1BF5;
	[smem:$0x3FB7] =	sst s0  }
0x18: {  	s0 =	sld [smem:$0x3F9A];
	_ =	swait.ge [sflag:s4], $0x0  }
0x19: {  	s7 =	sld [smem:$0x3F9B]  }
0x1a: {  	s8 =	sadd.s32 $0xFFFFE003, lr  }
0x1b: {  	s9 =	sadd.s32 $0xFFFFFEF7, lr;
	s5 =	simm.s32 $0xFFFFFFFF;
	p2 =	slt.u32 s8, $0xFFFFF086  }
0x1c: {  	p1 =	slt.u32 s9, $0xF7A;
	s5 =	simm.s32 @!p2 $0x0  }
0x1d: {  	s5 =	simm.s32 @p1 $0x1;
	p0 =	seq.s32 s7, s2  }
0x1e: {  	s7 =	smul.u32 @!p0 $0xF7A, s2;
	p2 =	seq.s32 @!p0 s5, $0x0  }
0x1f: {  	s9 =	smul.u32 $0xF7A, s1;
	s8 =	simm.s32 @!p0 $0x1BF5;
	p2 =	por !p2, p0  }
0x20: {  	[sflag:s8] =	ssyncset.s32 @!p0 $0xFFFFF086;
	s6 =	sadd.s32 @!p0 s3, s7;
	s7 =	simm.s32 @!p0 $0x108  }
0x21: {  	s3 =	sadd.s32 s3, s9;
	s6 =	sadd.s32 @!p0 $0x88, s6;
	s7 =	simm.s32 @p2 $0x1082  }
0x22: {  	[simem:s7], [sflag:s8] =	dma.local @!p0 [hbm:s6], $0xF7A  }
0x23: {  	s9 =	sor.u32 $0xD0000000, s2;
	s6 =	simm.s32 $0x108;
	_ =	swait.ge @!p0 [sflag:s8], $0x0  }
0x24: {  	s3 =	sadd.s32 $0x88, s3;
	s6 =	simm.s32 @!p1 $0x1082;
	[sflag:s4] =	ssyncset.s32 $0xFFFFF086  }
0x25: {  	[simem:s6], [sflag:s4] =	dma.local [hbm:s3], $0xF7A  }
0x26: {  	[smem:$0x3F9B] =	sst s1;
	(tag) =	ssettag s2;
	_ =	strace s9  }
0x27: {  	s1 =	sld [smem:$0x3FAB]  }
0x28: {  	s2 =	sld [smem:$0x3FAC]  }
0x29: {  	s4 =	sld [smem:$0x3FAE]  }
0x2a: {  	p0 =	seq.s32 s5, $0x0;
	s5 =	sld [smem:$0x3FAF]  }
0x2b: {  	s6 =	sld [smem:$0x3FB0]  }
0x2c: {  	s7 =	sld [smem:$0x3FB1]  }
0x2d: {  	s3 =	simm.s32 $0x108;
	s8 =	sld [smem:$0x3FB2]  }
0x2e: {  	s3 =	simm.s32 @!p0 $0x1082;
	s9 =	sld [smem:$0x3FB3]  }
0x2f: {  	lr =	sadd.s32 s0, s3;
	s0 =	sld [smem:$0x3FAA]  }
0x30: {  	s3 =	sld [smem:$0x3FAD]  }
0x31: {  	[smem:$0x3FB6] =	sst s10  }
0x32: {  	s10 =	sld [smem:$0x3FB4];
	_ =	sdelay $0x3  }
0x33: {  	p0 =	seq.s32 s10, $0x1;
	s10 =	sld [smem:$0x3FB6];
	_ =	sdelay $0x3  }
0x34: {  	[smem:$0x3FB6] =	sst s10  }
0x35: {  	s10 =	sld [smem:$0x3FB5];
	_ =	sdelay $0x3  }
0x36: {  	p1 =	seq.s32 s10, $0x1;
	s10 =	sld [smem:$0x3FB6];
	_ =	sdelay $0x3  }
0x37: {  	[smem:$0x3FB6] =	sst s10  }
0x38: {  	s10 =	sld [smem:$0x3FB7]  }
0x39: {  	_ = 	snop;
	(pc) =	sbr.ind lr, $3  }
0x3a: {  	_ = 	snop  }
0x3b: {  	_ = 	snop  }
0x3c: {  	p2 =	seq.s32 s10, $0x1;
	s10 =	sld [smem:$0x3FB6]  }
0x3d: {  	_ =	shalt  }
0x3e: {  	_ =	shalt  }
0x3f: {  	_ =	shalt  }
0x40: {  	_ =	shalt  }
0x41: {  	_ =	shalt  }
0x42: {  	_ =	shalt  }
0x43: {  	_ =	shalt  }
0x44: {  	_ =	shalt  }
0x45: {  	_ =	shalt  }
0x46: {  	_ =	shalt  }
0x47: {  	_ =	shalt  }
0x48: {  	_ =	shalt  }
0x49: {  	_ =	shalt  }
0x4a: {  	_ =	shalt  }
0x4b: {  	_ =	shalt  }
0x4c: {  	_ =	shalt  }
0x4d: {  	_ =	shalt  }
0x4e: {  	_ =	shalt  }
0x4f: {  	_ =	shalt  }
0x50: {  	_ =	shalt  }
0x51: {  	_ =	shalt  }
0x52: {  	_ =	shalt  }
0x53: {  	_ =	shalt  }
0x54: {  	_ =	shalt  }
0x55: {  	_ =	shalt  }
0x56: {  	_ =	shalt  }
0x57: {  	_ =	shalt  }
0x58: {  	_ =	shalt  }
0x59: {  	_ =	shalt  }
0x5a: {  	_ =	shalt  }
0x5b: {  	_ =	shalt  }
0x5c: {  	_ =	shalt  }
0x5d: {  	_ =	shalt  }
0x5e: {  	_ =	shalt  }
0x5f: {  	_ =	shalt  }
0x60: {  	_ =	shalt  }
0x61: {  	_ =	shalt  }
0x62: {  	_ =	shalt  }
0x63: {  	_ =	shalt  }
0x64: {  	_ =	shalt  }
0x65: {  	_ =	shalt  }
0x66: {  	_ =	shalt  }
0x67: {  	_ =	shalt  }
0x68: {  	_ =	shalt  }
0x69: {  	_ =	shalt  }
0x6a: {  	_ =	shalt  }
0x6b: {  	_ =	shalt  }
0x6c: {  	_ =	shalt  }
0x6d: {  	_ =	shalt  }
0x6e: {  	_ =	shalt  }
0x6f: {  	_ =	shalt  }
0x70: {  	_ =	shalt  }
0x71: {  	_ =	shalt  }
0x72: {  	_ =	shalt  }
0x73: {  	_ =	shalt  }
0x74: {  	_ =	shalt  }
0x75: {  	_ =	shalt  }
0x76: {  	_ =	shalt  }
0x77: {  	_ =	shalt  }
0x78: {  	_ =	shalt  }
0x79: {  	_ =	shalt  }
0x7a: {  	_ =	shalt  }
0x7b: {  	_ =	shalt  }
0x7c: {  	_ =	shalt  }
0x7d: {  	_ =	shalt  }
0x7e: {  	_ =	shalt  }
0x7f: {  	_ =	shalt  }
0x80: {  	_ =	shalt  }
0x81: {  	_ =	shalt  }
0x82: {  	_ =	shalt  }
0x83: {  	_ =	shalt  }
0x84: {  	_ =	shalt  }
0x85: {  	_ =	shalt  }
0x86: {  	_ =	shalt  }
0x87: {  	_ =	shalt  }
.Lfunc_end0:
.L_simem_size_0:
called_computation_lowered:
.L_overlay_start_0:
0x88: {  	s2 =	sld [smem:$0x3FD9]  }
0x89: {  	s3 =	sld [smem:$0x3FFE];
	_ =	sdelay $0x1  }
0x8a: {  	s1 =	srdreg.scid  }
0x8b: {  	s0 =	sand.u32 $0x1, s1  }
0x8c: {  	s17 =	sshll.u32 s0, $0xA;
	s2 =	sadd.s32 s3, s2  }
0x8d: {  	s2 =	sadd.s32 s2, s17  }
0x8e: {  	[smem:$0x3FC2] =	sst s2  }
0x8f: {  	_ = 	snop  }
0x90: {  	s2 =	sld [smem:$0x3FD0];
	(tm) =	ssettm $0x1  }
0x91: {  	s18 =	sld [smem:$0x3FFB];
	_ =	sdelay $0x3  }
0x92: {  	_ =	strace s18  }
0x93: {  	s3 =	sld [smem:$0x3FFC];
	_ =	sdelay $0x3  }
0x94: {  	_ =	strace s3  }
0x95: {  	s3 =	sld [smem:$0x3FFD];
	_ =	sdelay $0x3  }
0x96: {  	_ =	strace s3  }
0x97: {  	_ =	strace $0x8FFFFFFF  }
0x98: {  	s19 =	sld [smem:$0x3FDB];
	_ =	sdelay $0x1  }
0x99: {  	s4 =	simm.s32 $_scs_section_size  }
0x9a: {  	s5 =	simm.s32 $_size__tile_overlayer_lowered;
	s6 =	simm.s32 $_tile_overlayer_lowered  }
0x9b: {  	s22 =	simm.s32 $0x1BFF;
	s21 =	sshll.u32 s6, $0x1;
	s3 =	sadd.s32 s4, s19  }
0x9c: {  	s7 =	simm.s32 $0x0;
	s20 =	sshll.u32 s5, $0x1;
	s5 =	sadd.s32 s21, s3  }
0x9d: {  	[timem:s7], [sflag:s22] =	dma.local [hbm:s5], s20  }
0x9e: {  	_ =	swait.ge [sflag:s22], s20  }
0x9f: {  	s4 =	ssub.s32 $0x0, s20;
	[sflag:s22] =	ssyncset.done $0x0  }
0xa0: {  	[sflag:s22] =	ssyncadd.s32 s4;
	_ =	sdelay $0x1  }
0xa1: {  	s23 =	simm.s32 $0x1B8B  }
0xa2: {  	_ =	swait.ge [sflag:s23], $0x1  }
0xa3: {  	[sflag:s23] =	ssyncset.done $0x0  }
0xa4: {  	s25 =	simm.s32 $0x1B8E;
	s24 =	sld [smem:$0x3FFE];
	[sflag:s23] =	ssyncadd.s32 $0xFFFFFFFF  }
0xa5: {  	s26 =	simm.s32 $execute0_lowered;
	[smem:$0x3FD2] =	sst s25  }
0xa6: {  	s5 =	sshll.u32 s26, $0x1;
	_ =	strace $0x80000046;
	[dreg:$0x1] =	wrdreg $0xFFFFFFFF  }
0xa7: {  	s28 =	simm.s32 $_size_execute0_lowered;
	s3 =	sadd.s32 s3, s5;
	[dreg:$0x0] =	wrdreg $0x0  }
0xa8: {  	s5 =	sshll.u32 s28, $0x1;
	[dreg:$0x2] =	wrdreg s3  }
0xa9: {  	[dreg:$0x3] =	wrdreg s5  }
0xaa: {  	[dreg:$0x4] =	wrdreg $0xC0  }
0xab: {  	_ =	task [dreg:s7], $0x5FFFF  }
0xac: {  	[dreg:$0x1] =	wrdreg $0xFFFFFFFF  }
0xad: {  	[dreg:$0x0] =	wrdreg $0x60  }
0xae: {  	[dreg:$0x2] =	wrdreg s2  }
0xaf: {  	[dreg:$0x3] =	wrdreg s24  }
0xb0: {  	[dreg:$0x4] =	wrdreg $0x13B00  }
0xb1: {  	[dreg:$0x5] =	wrdreg $0x9  }
0xb2: {  	_ =	task.clear_ibuf [dreg:s7], $0x6FFFF;
	_ =	strace $0x90000046  }
0xb3: {  	s29 =	simm.s32 $0x9;
	_ =	strace $0x80000048  }
0xb4: {  	_ =	swait.ge [sflag:s29], $0x1  }
0xb5: {  	[sflag:s29] =	ssyncadd.s32 $0xFFFFFFFF  }
0xb6: {  	_ =	strace $0x90000048  }
0xb7: {  	_ =	sfence  }
0xb8: {  	s30 =	sld [smem:$0x0];
	_ =	sdelay $0x2  }
0xb9: {  	s31 =	sshll.u32 s1, $0xD;
	s1 =	sshrl.u32 s1, $0x2  }
0xba: {  	s3 =	sand.u32 $0x4000, s31;
	s1 =	sadd.s32 s1, s30  }
0xbb: {  	s0 =	sor.u32 s3, s0;
	s1 =	sshll.u32 s1, $0x11  }
0xbc: {  	s0 =	sor.u32 s1, s0  }
0xbd: {  	s0 =	sadd.s32 $0x8F2B, s0  }
0xbe: {  	[sflag:s0] =	ssyncadd.remote.s32 $0x1  }
0xbf: {  	_ =	sfence.sel $0xFFFF  }
0xc0: {  	[dreg:$0x0] =	wrdreg $0xFFFFFFFF;
	(pc) =	sbr.abs _section_cstart, $3  }
0xc1: {  	[dreg:$0x1] =	wrdreg $0xFFFFFFFF  }
0xc2: {  	_ =	task.clear_ibuf [dreg:s7], $0x2FFFF;
	_ =	strace $0x9FFFFFFF  }
0xc3: {  	(tm) =	ssettm $0x7FFFFFFF  }
tec
execute0_lowered:
.L_overlay_start_1:
0x0: {  	(tag) =	ssettag $0x1  }
0x1: {  	s7 =	rddreg [dreg:$0x0]  }
0x2: {  	s5 =	rddreg [dreg:$0x1]  }
0x3: {  	s2 =	rddreg [dreg:$0x2]  }
0x4: {  	s0 =	rddreg [dreg:$0x3];
	s3 =	simm.s32 $0x0  }
0x5: {  	s1 =	stileid.u32;
	s4 =	srdreg.scid;
	s14 =	simm.s32 $0x78  }
0x6: {  	s15 =	simm.s32 $0x1;
	[smem:$0x7FF] =	sst s3;
	s6 =	smul.u32 $0x280, s1  }
0x7: {  	s8 =	sand.u32 $0x1, s4;
	s4 =	sadd.s32 $0x6600, s5;
	s12 =	sshll.u32 s1, $0x1  }
0x8: {  	s31 =	sshll.u32 s1, $0x6;
	_ =	strace $0x80000047;
	s9 =	smul.u32 $0x500, s8  }
0x9: {  	s11 =	ssub.s32 $0x2, s8;
	s8 =	sor.u32 s8, s12;
	s12 =	simm.s32 $0x28  }
0xa: {  	s16 =	sshrl.u32 s6, $0x3;
	s30 =	sshrl.u32 s11, $0x1;
	s8 =	smul.u32 $0x271, s8  }
0xb: {  	s13 =	sadd.s32 s6, s2;
	s6 =	sor.u32 $0x1C02, s31;
	s10 =	sadd.s32 s16, s5  }
0xc: {  	s9 =	sadd.s32 s9, s5;
	s11 =	ssub.s32 s11, s30;
	s5 =	sadd.s32 $0x6000, s10  }
0xd: {  	s7 =	sadd.s32 s7, s8;
	s17 =	sadd.s32 $0x6800, s9;
	s8 =	smax.u32 s11, $0x1  }
0xe: {  	s9 =	sshrl.u32 s13, $0x3;
	s10 =	simm.s32 $0x2;
	s11 =	simm.s32 $0x1388  }
0xf: {  	s13 =	simm.s32 $0x50;
	s16 =	sadd.s32 s16, s17;
	s17 =	simm.s32 $0x0  }
.LBB2_1:
0x10: {  	[spmem:s9], [sflag:s6] =	dma.local [hbm:s5], $0x50  }
0x11: {  	_ =	swait.ge [sflag:s10], $0x50  }
0x12: {  	[sflag:s10] =	ssyncset.done $0x0  }
0x13: {  	[sflag:s10] =	ssyncadd.s32 $0xFFFFFFB0  }
0x14: {  	[tilespmem:s3], [sflag:$0x2] =	stream.linear.gather [hbm4b:s7+s3], $0x1388, $0x38;
	[tilespmem:$0x1630] =	vst v63  }
0x15: {  	_ =	swait.ge [sflag:s10], $0x1388  }
0x16: {  	[sflag:s10] =	ssyncset.done $0x0  }
0x17: {  	[sflag:s10] =	ssyncadd.s32 $0xFFFFEC78  }
0x18: {  	[tilespmem:s11], [sflag:$0x2] =	stream.linear.gather [hbm4b:s4+s3], $0x28, $0x38;
	[tilespmem:$0x1630] =	vst v63  }
0x19: {  	_ =	swait.ge [sflag:s10], $0x28  }
0x1a: {  	[sflag:s10] =	ssyncset.done $0x0  }
0x1b: {  	[sflag:s10] =	ssyncadd.s32 $0xFFFFFFD8  }
0x1c: {  	[bflag:$0x0] =	sbarrier.arrive $0xFFFF  }
0x1d: {  	[spmem:s2] =	stream.indirect.scatter.add.f32 [tilespmem:s11], [sflag:$0x1], $0x1, s3, s12, $0xb8;
	[tilespmem:$0x1630] =	vst v63  }
0x1e: {  	_ = 	snop  }
0x1f: {  	[spmem:s2] =	stream.indirect.scatter.add.f32 [tilespmem:s11], [sflag:$0x1], $0x1, s12, s12, $0xb8;
	[tilespmem:$0x1630] =	vst v63  }
0x20: {  	_ = 	snop  }
0x21: {  	[spmem:s2] =	stream.indirect.scatter.add.f32 [tilespmem:s11], [sflag:$0x1], $0x1, s13, s12, $0xb8;
	[tilespmem:$0x1630] =	vst v63  }
0x22: {  	p0 =	por $0x0, $0x0  }
0x23: {  	[spmem:s2] =	stream.indirect.scatter.add.f32 [tilespmem:s11], [sflag:$0x1], $0x1, s14, s12, $0xb8;
	[tilespmem:$0x1630] =	vst v63  }
0x24: {  	s18 =	simm.s32 $0xA0;
	s19 =	simm.s32 @!p0 $0x28;
	s20 =	simm.s32 @!p0 $0x1388  }
0x25: {  	[spmem:s2] =	stream.indirect.scatter.add.f32 @!p0 [tilespmem:s20], [sflag:$0x1], $0x1, s18, s19, $0xb8;
	[tilespmem:$0x1630] =	vst v63  }
0x26: {  	_ =	swait.ge [sflag:s15], $0x28  }
0x27: {  	s19 =	simm.s32 $0x1;
	[sflag:s15] =	ssyncset.done $0x0  }
.LBB2_2:
0x28: {  	s20 =	smov.u32 s19;
	s19 =	sadd.s32 $0x1, s19  }
0x29: {  	[sflag:s15] =	ssyncadd.s32 $0xFFFFFFD8;
	s18 =	sadd.s32 $0x28, s18;
	p1 =	sne.s32 s19, $0x7D  }
.Ltmp0:
0x2a: {  	p0 =	sgt.u32 s20, $0x78;
	(pc) =	sbr.rel @p1 .LBB2_2-.Ltmp0, $4  }
0x2b: {  	s20 =	simm.s32 @!p0 $0x28;
	s21 =	simm.s32 @!p0 $0x1388  }
0x2c: {  	[spmem:s2] =	stream.indirect.scatter.add.f32 @!p0 [tilespmem:s21], [sflag:$0x1], $0x1, s18, s20, $0xb8;
	[tilespmem:$0x1630] =	vst v63  }
0x2d: {  	_ =	swait.ge [sflag:s15], $0x28  }
0x2e: {  	[sflag:s15] =	ssyncset.done $0x0  }
0x2f: {  	s17 =	sadd.s32 $0x1, s17  }
0x30: {  	[sflag:s15] =	ssyncadd.s32 $0xFFFFFFD8;
	p0 =	sne.s32 s17, s8  }
.Ltmp1:
0x31: {  	[bflag:$0x0] =	sbarrier.arrive $0xFFFF;
	(pc) =	sbr.rel @p0 .LBB2_1-.Ltmp1, $4  }
0x32: {  	[hbm:s16], [sflag:s6] =	dma.local [spmem:s9], $0x50  }
0x33: {  	_ =	swait.ge [sflag:s10], $0x50  }
0x34: {  	[sflag:s10] =	ssyncset.done $0x0  }
0x35: {  	[sflag:s10] =	ssyncadd.s32 $0xFFFFFFB0  }
0x36: {  	_ =	sfence.sel $0x180000  }
0x37: {  	[bflag:$0x0] =	sbarrier.arrive $0xFFFF  }
0x38: {  	p0 =	sne.s32 s1, $0x0;
	_ =	strace $0x90000047  }
0x39: {  	s0 =	sadd.s32 @!p0 $0x100000, s0;
	[bflag:$0x2] =	sbarrier.arrive $0xFFFF  }
0x3a: {  	[sflag:s0] =	ssyncadd.tile.s32 @!p0 $0x1;
	_ =	shalt  }
.Lfunc_end2:
_tile_overlayer_lowered:
.L_overlay_start_2:
0x3b: {  	(tag) =	ssettag $0x2  }
0x3c: {  	s0 =	rddreg [dreg:$0x0];
	s2 =	stileid.u32  }
0x3d: {  	s1 =	rddreg [dreg:$0x1];
	p0 =	sne.s32 s2, $0x0  }
0x3e: {  	s3 =	rddreg [dreg:$0x2];
	[bflag:$0x3] =	sbarrier.arrive $0xFFFF;
	s2 =	simm.s32 @!p0 $0x1C02  }
0x3f: {  	[timem:s3], [sflag:s2] =	dma.local @!p0 [hbm:s0], s1  }
0x40: {  	s0 =	simm.s32 @!p0 $0x2  }
0x41: {  	_ =	swait.ge @!p0 [sflag:s0], s1  }
0x42: {  	s1 =	ssub.s32 @!p0 $0x0, s1;
	[sflag:s0] =	ssyncset.done @!p0 $0x0  }
0x43: {  	[sflag:s0] =	ssyncadd.s32 @!p0 s1  }
0x44: {  	[bflag:$0x3] =	sbarrier.arrive $0xFFFF  }
0x45: {  	_ =	shalt  }

</sc_bundles>
